<compile_context>
chip_gen: v7x
topology: tpu7x:2x2x1
jax: 0.10.2.dev20260603
libtpu: 0.0.44.dev20260713+nightly
codegen_flags: <defaults>
</compile_context>

<pallas_src>
import functools

import jax
import jax.numpy as jnp
from jax import lax
from jax.experimental import pallas as pl
from jax.experimental.pallas import tpu as pltpu
from jax.experimental.pallas import tpu_sc as plsc

B = 4096
S = 200
D = 64
H = 256
C = 50
CPAD = 128

NC = 2
NS = 16
NW = NC * NS
BPW = B // NW
SA = 104
SB = S - SA
SP = 256
LANES = 16
DCH = D // LANES


def _sc_bag(X, table):
  mesh = plsc.VectorSubcoreMesh(core_axis_name="c", subcore_axis_name="s")

  @functools.partial(
      pl.kernel,
      out_type=jax.ShapeDtypeStruct((B, D), jnp.float32),
      mesh=mesh,
      compiler_params=pltpu.CompilerParams(use_tc_tiling_on_sc=False),
      scratch_types=[
          pltpu.VMEM((BPW, SP), jnp.int32),
          pltpu.VMEM((4, SA, D), jnp.float32),
          pltpu.VMEM((4, SB, D), jnp.float32),
          pltpu.VMEM((BPW, D), jnp.float32),
          pltpu.SemaphoreType.DMA((4,)),
          pltpu.SemaphoreType.DMA((4,)),
      ],
  )
  def bag(x_hbm, tab_hbm, out_hbm, idx_v, buf_a, buf_b, out_v, sem_a, sem_b):
    w = lax.axis_index("s") * NC + lax.axis_index("c")
    base = w * BPW
    pltpu.sync_copy(x_hbm.at[pl.ds(base, BPW)], idx_v)

    def start_a(b, k):
      pltpu.async_copy(
          tab_hbm.at[idx_v.at[b, pl.ds(0, SA)]], buf_a.at[k], sem_a.at[k]
      )

    def start_b(b, k):
      pltpu.async_copy(
          tab_hbm.at[idx_v.at[b, pl.ds(SA, SB)]], buf_b.at[k], sem_b.at[k]
      )

    def wait_a(k):
      pltpu.make_async_copy(
          tab_hbm.at[idx_v.at[0, pl.ds(0, SA)]], buf_a.at[k], sem_a.at[k]
      ).wait()

    def wait_b(k):
      pltpu.make_async_copy(
          tab_hbm.at[idx_v.at[0, pl.ds(SA, SB)]], buf_b.at[k], sem_b.at[k]
      ).wait()

    def accum(buf, n, accs):
      def body(i, accs):
        r = i * 2
        return tuple(
            accs[c]
            + buf[r, pl.ds(c * LANES, LANES)]
            + buf[r + 1, pl.ds(c * LANES, LANES)]
            for c in range(DCH)
        )
      return lax.fori_loop(0, n // 2, body, accs)

    for k in range(4):
      start_a(k, k)
      start_b(k, k)

    @pl.loop(0, BPW, step=4)
    def _(b):
      for k in range(4):
        zeros = tuple(jnp.zeros((LANES,), jnp.float32) for _ in range(DCH))
        wait_a(k)
        acc = accum(buf_a.at[k], SA, zeros)

        @pl.when(b + k + 4 < BPW)
        def _():
          start_a(b + k + 4, k)

        wait_b(k)
        acc = accum(buf_b.at[k], SB, acc)

        @pl.when(b + k + 4 < BPW)
        def _():
          start_b(b + k + 4, k)

        for c in range(DCH):
          out_v[b + k, pl.ds(c * LANES, LANES)] = acc[c] * (1.0 / S)

    pltpu.sync_copy(out_v, out_hbm.at[pl.ds(base, BPW)])

  return bag(X, table)


def _mlp_body(x_ref, w1_ref, b1_ref, w2_ref, b2_ref, o_ref):
  x = x_ref[...]
  h = jnp.maximum(
      jnp.dot(x, w1_ref[...], preferred_element_type=jnp.float32) + b1_ref[...],
      0.0,
  )
  logits = (
      jnp.dot(h, w2_ref[...], preferred_element_type=jnp.float32) + b2_ref[...]
  )
  m = jnp.max(logits, axis=-1, keepdims=True)
  s = logits - m
  lse = jnp.log(jnp.sum(jnp.exp(s), axis=-1, keepdims=True))
  o_ref[...] = s - lse


def _mlp(bag, W1, b1, W2p, b2p):
  BB = 512
  return pl.pallas_call(
      _mlp_body,
      grid=(B // BB,),
      in_specs=[
          pl.BlockSpec((BB, D), lambda i: (i, 0)),
          pl.BlockSpec((D, H), lambda i: (0, 0)),
          pl.BlockSpec((1, H), lambda i: (0, 0)),
          pl.BlockSpec((H, CPAD), lambda i: (0, 0)),
          pl.BlockSpec((1, CPAD), lambda i: (0, 0)),
      ],
      out_specs=pl.BlockSpec((BB, CPAD), lambda i: (i, 0)),
      out_shape=jax.ShapeDtypeStruct((B, CPAD), jnp.float32),
  )(bag, W1, b1, W2p, b2p)


@jax.jit
def kernel(X, table, W1, b1, W2, b2):
  Xp = jnp.pad(X, ((0, 0), (0, SP - S)))
  bag = _sc_bag(Xp, table)
  W2p = jnp.pad(W2, ((0, 0), (0, CPAD - C)))
  b2p = jnp.pad(b2, (0, CPAD - C), constant_values=-1e30).reshape(1, CPAD)
  out = _mlp(bag, W1, b1.reshape(1, H), W2p, b2p)
  return out[:, :C]

# --- scband reference (transcript-rebuilt; emitter-appended) ---
"""Pipeline reference for scband-fast-text-11613591568779 (READ-ONLY COPY).

The authoritative reference and input builder live on the scoring server;
editing this copy changes nothing except your own understanding.
"""

import jax, jax.numpy as jnp
import numpy as np

VOCAB = 1000000
EMBED_DIM = 64
HIDDEN = 256
NUM_CLASSES = 50
BATCH = 4096
SEQ = 200


def setup_inputs(seed: int = 0) -> dict:
    key = jax.random.key(seed)
    k1, k2, k3, k4, k5, k6 = jax.random.split(key, 6)
    X = jax.random.randint(k1, (BATCH, SEQ), 0, VOCAB, dtype=jnp.int64 if jax.config.jax_enable_x64 else jnp.int32).astype(jnp.int32)
    table = jax.random.normal(k2, (VOCAB, EMBED_DIM), dtype=jnp.float32) * 0.02
    W1 = jax.random.normal(k3, (EMBED_DIM, HIDDEN), dtype=jnp.float32) * (1.0 / np.sqrt(EMBED_DIM))
    b1 = jnp.zeros((HIDDEN,), dtype=jnp.float32)
    W2 = jax.random.normal(k4, (HIDDEN, NUM_CLASSES), dtype=jnp.float32) * (1.0 / np.sqrt(HIDDEN))
    b2 = jnp.zeros((NUM_CLASSES,), dtype=jnp.float32)
    return {"X": X, "table": table, "W1": W1, "b1": b1, "W2": W2, "b2": b2}


def reference(X, table, W1, b1, W2, b2):
    # embedding lookup: [B, L, D]
    embeded = jnp.take(table, X, axis=0)
    # mean over sequence dim (EmbeddingBag-style average)
    avg = jnp.mean(embeded, axis=1)
    h = jnp.maximum(avg @ W1 + b1, 0.0)
    logits = h @ W2 + b2
    output = jax.nn.log_softmax(logits, axis=-1)
    return output

if __name__ == "__main__":
    import jax
    _d = setup_inputs()
    print(jax.jit(kernel)(*tuple(_d.values())))

</pallas_src>

<mosaic_0001>
#map = affine_map<(d0, d1) -> (0, 0)>
module attributes {stable_mosaic.version = 14 : i64} {
  func.func @bag(%arg0: i32, %arg1: i32, %arg2: memref<4096x256xi32, #tpu.memory_space<hbm>>, %arg3: memref<1000000x64xf32, #tpu.memory_space<hbm>>, %arg4: memref<4096x64xf32, #tpu.memory_space<hbm>>, %arg5: memref<128x256xi32, #tpu.memory_space<vmem>>, %arg6: memref<4x104x64xf32, #tpu.memory_space<vmem>>, %arg7: memref<4x96x64xf32, #tpu.memory_space<vmem>>, %arg8: memref<128x64xf32, #tpu.memory_space<vmem>>, %arg9: memref<4x!tpu.dma_semaphore, #tpu.memory_space<semaphore_mem>>, %arg10: memref<4x!tpu.dma_semaphore, #tpu.memory_space<semaphore_mem>>) attributes {dimension_semantics = [#tpu.dimension_semantics<core_parallel>, #tpu.dimension_semantics<subcore_parallel>], iteration_bounds = array<i64: 2, 16>, scalar_prefetch = 0 : i64, scratch_operands = 6 : i64, tpu.core_type = #tpu.core_type<sc_vector_subcore>, window_params = [{transform_indices = #map}, {transform_indices = #map}, {transform_indices = #map}]} {
    %mul3A = arith.constant 2 : i32
    %mul3A_0 = arith.muli %arg1, %mul3A : i32
    %add3A = arith.addi %mul3A_0, %arg0 : i32
    %mul3A_1 = arith.constant 128 : i32
    %mul3A_2 = arith.muli %add3A, %mul3A_1 : i32
    "tpu.region"() ({
      %run_scoped3A = tpu.sem_alloc : memref<!tpu.dma_semaphore, #tpu.memory_space<semaphore_mem>>
      %dma_start3A_126 = arith.constant 0 : i32
      %dma_start3A_127 = tpu.memref_slice %arg2[%mul3A_2, %dma_start3A_126] : memref<4096x256xi32, #tpu.memory_space<hbm>> -> memref<128x256xi32, #tpu.memory_space<hbm>>
      %dma_start3A_128 = arith.constant 0 : i32
      %dma_start3A_129 = tpu.memref_slice %arg2[%mul3A_2, %dma_start3A_128] : memref<4096x256xi32, #tpu.memory_space<hbm>> -> memref<128x256xi32, #tpu.memory_space<hbm>>
      tpu.enqueue_dma source(%dma_start3A_129 : memref<128x256xi32, #tpu.memory_space<hbm>>) target(%arg5 : memref<128x256xi32, #tpu.memory_space<vmem>>) target_semaphore(%run_scoped3A : memref<!tpu.dma_semaphore, #tpu.memory_space<semaphore_mem>>)
      %dma_wait3A = arith.constant 0 : i32
      %dma_wait3A_130 = tpu.memref_slice %arg2[%mul3A_2, %dma_wait3A] : memref<4096x256xi32, #tpu.memory_space<hbm>> -> memref<128x256xi32, #tpu.memory_space<hbm>>
      %dma_wait3A_131 = arith.constant 0 : i32
      %dma_wait3A_132 = tpu.memref_slice %arg2[%mul3A_2, %dma_wait3A_131] : memref<4096x256xi32, #tpu.memory_space<hbm>> -> memref<128x256xi32, #tpu.memory_space<hbm>>
      tpu.wait_dma2 semaphore(%run_scoped3A : memref<!tpu.dma_semaphore, #tpu.memory_space<semaphore_mem>>) src(%dma_wait3A_132 : memref<128x256xi32, #tpu.memory_space<hbm>>) dst(%arg5 : memref<128x256xi32, #tpu.memory_space<vmem>>)
      tpu.yield
    }) : () -> ()
    %dma_start3A = arith.constant 0 : i32
    %dma_start3A_3 = arith.constant 0 : i32
    %dma_start3A_4 = arith.constant 0 : i32
    %dma_start3A_5 = arith.constant 0 : i32
    %dma_start3A_6 = arith.constant 0 : i32
    %dma_start3A_7 = tpu.memref_slice %arg6[%dma_start3A_3, %dma_start3A_5, %dma_start3A_6] : memref<4x104x64xf32, #tpu.memory_space<vmem>> -> memref<1x104x64xf32, #tpu.memory_space<vmem>>
    %dma_start3A_8 = tpu.memref_squeeze %dma_start3A_7 : memref<1x104x64xf32, #tpu.memory_space<vmem>> -> memref<104x64xf32, #tpu.memory_space<vmem>>
    %dma_start3A_9 = arith.constant 0 : i32
    %dma_start3A_10 = tpu.memref_slice %arg5[%dma_start3A, %dma_start3A_9] : memref<128x256xi32, #tpu.memory_space<vmem>> -> memref<1x104xi32, #tpu.memory_space<vmem>>
    %dma_start3A_11 = tpu.memref_squeeze %dma_start3A_10 : memref<1x104xi32, #tpu.memory_space<vmem>> -> memref<104xi32, #tpu.memory_space<vmem>>
    %dma_start3A_12 = arith.constant 0 : i32
    %dma_start3A_13 = arith.constant 0 : i32
    %dma_start3A_14 = tpu.memref_slice %arg3[%dma_start3A_12, %dma_start3A_13] : memref<1000000x64xf32, #tpu.memory_space<hbm>> -> memref<1000000x64xf32, #tpu.memory_space<hbm>>
    %dma_start3A_15 = tpu.memref_slice %arg9[%dma_start3A_4] : memref<4x!tpu.dma_semaphore, #tpu.memory_space<semaphore_mem>> -> memref<1x!tpu.dma_semaphore, #tpu.memory_space<semaphore_mem>>
    %dma_start3A_16 = tpu.memref_squeeze %dma_start3A_15 : memref<1x!tpu.dma_semaphore, #tpu.memory_space<semaphore_mem>> -> memref<!tpu.dma_semaphore, #tpu.memory_space<semaphore_mem>>
    tpu.enqueue_indirect_dma source(%dma_start3A_14 : memref<1000000x64xf32, #tpu.memory_space<hbm>>) target(%dma_start3A_8 : memref<104x64xf32, #tpu.memory_space<vmem>>) offsets(%dma_start3A_11 : memref<104xi32, #tpu.memory_space<vmem>>) semaphore(%dma_start3A_16 : memref<!tpu.dma_semaphore, #tpu.memory_space<semaphore_mem>>)
    %dma_start3A_17 = arith.constant 0 : i32
    %dma_start3A_18 = arith.constant 0 : i32
    %dma_start3A_19 = arith.constant 0 : i32
    %dma_start3A_20 = arith.constant 0 : i32
    %dma_start3A_21 = arith.constant 0 : i32
    %dma_start3A_22 = tpu.memref_slice %arg7[%dma_start3A_18, %dma_start3A_20, %dma_start3A_21] : memref<4x96x64xf32, #tpu.memory_space<vmem>> -> memref<1x96x64xf32, #tpu.memory_space<vmem>>
    %dma_start3A_23 = tpu.memref_squeeze %dma_start3A_22 : memref<1x96x64xf32, #tpu.memory_space<vmem>> -> memref<96x64xf32, #tpu.memory_space<vmem>>
    %dma_start3A_24 = arith.constant 104 : i32
    %dma_start3A_25 = tpu.memref_slice %arg5[%dma_start3A_17, %dma_start3A_24] : memref<128x256xi32, #tpu.memory_space<vmem>> -> memref<1x96xi32, #tpu.memory_space<vmem>>
    %dma_start3A_26 = tpu.memref_squeeze %dma_start3A_25 : memref<1x96xi32, #tpu.memory_space<vmem>> -> memref<96xi32, #tpu.memory_space<vmem>>
    %dma_start3A_27 = arith.constant 0 : i32
    %dma_start3A_28 = arith.constant 0 : i32
    %dma_start3A_29 = tpu.memref_slice %arg3[%dma_start3A_27, %dma_start3A_28] : memref<1000000x64xf32, #tpu.memory_space<hbm>> -> memref<1000000x64xf32, #tpu.memory_space<hbm>>
    %dma_start3A_30 = tpu.memref_slice %arg10[%dma_start3A_19] : memref<4x!tpu.dma_semaphore, #tpu.memory_space<semaphore_mem>> -> memref<1x!tpu.dma_semaphore, #tpu.memory_space<semaphore_mem>>
    %dma_start3A_31 = tpu.memref_squeeze %dma_start3A_30 : memref<1x!tpu.dma_semaphore, #tpu.memory_space<semaphore_mem>> -> memref<!tpu.dma_semaphore, #tpu.memory_space<semaphore_mem>>
    tpu.enqueue_indirect_dma source(%dma_start3A_29 : memref<1000000x64xf32, #tpu.memory_space<hbm>>) target(%dma_start3A_23 : memref<96x64xf32, #tpu.memory_space<vmem>>) offsets(%dma_start3A_26 : memref<96xi32, #tpu.memory_space<vmem>>) semaphore(%dma_start3A_31 : memref<!tpu.dma_semaphore, #tpu.memory_space<semaphore_mem>>)
    %dma_start3A_32 = arith.constant 1 : i32
    %dma_start3A_33 = arith.constant 1 : i32
    %dma_start3A_34 = arith.constant 1 : i32
    %dma_start3A_35 = arith.constant 0 : i32
    %dma_start3A_36 = arith.constant 0 : i32
    %dma_start3A_37 = tpu.memref_slice %arg6[%dma_start3A_33, %dma_start3A_35, %dma_start3A_36] : memref<4x104x64xf32, #tpu.memory_space<vmem>> -> memref<1x104x64xf32, #tpu.memory_space<vmem>>
    %dma_start3A_38 = tpu.memref_squeeze %dma_start3A_37 : memref<1x104x64xf32, #tpu.memory_space<vmem>> -> memref<104x64xf32, #tpu.memory_space<vmem>>
    %dma_start3A_39 = arith.constant 0 : i32
    %dma_start3A_40 = tpu.memref_slice %arg5[%dma_start3A_32, %dma_start3A_39] : memref<128x256xi32, #tpu.memory_space<vmem>> -> memref<1x104xi32, #tpu.memory_space<vmem>>
    %dma_start3A_41 = tpu.memref_squeeze %dma_start3A_40 : memref<1x104xi32, #tpu.memory_space<vmem>> -> memref<104xi32, #tpu.memory_space<vmem>>
    %dma_start3A_42 = arith.constant 0 : i32
    %dma_start3A_43 = arith.constant 0 : i32
    %dma_start3A_44 = tpu.memref_slice %arg3[%dma_start3A_42, %dma_start3A_43] : memref<1000000x64xf32, #tpu.memory_space<hbm>> -> memref<1000000x64xf32, #tpu.memory_space<hbm>>
    %dma_start3A_45 = tpu.memref_slice %arg9[%dma_start3A_34] : memref<4x!tpu.dma_semaphore, #tpu.memory_space<semaphore_mem>> -> memref<1x!tpu.dma_semaphore, #tpu.memory_space<semaphore_mem>>
    %dma_start3A_46 = tpu.memref_squeeze %dma_start3A_45 : memref<1x!tpu.dma_semaphore, #tpu.memory_space<semaphore_mem>> -> memref<!tpu.dma_semaphore, #tpu.memory_space<semaphore_mem>>
    tpu.enqueue_indirect_dma source(%dma_start3A_44 : memref<1000000x64xf32, #tpu.memory_space<hbm>>) target(%dma_start3A_38 : memref<104x64xf32, #tpu.memory_space<vmem>>) offsets(%dma_start3A_41 : memref<104xi32, #tpu.memory_space<vmem>>) semaphore(%dma_start3A_46 : memref<!tpu.dma_semaphore, #tpu.memory_space<semaphore_mem>>)
    %dma_start3A_47 = arith.constant 1 : i32
    %dma_start3A_48 = arith.constant 1 : i32
    %dma_start3A_49 = arith.constant 1 : i32
    %dma_start3A_50 = arith.constant 0 : i32
    %dma_start3A_51 = arith.constant 0 : i32
    %dma_start3A_52 = tpu.memref_slice %arg7[%dma_start3A_48, %dma_start3A_50, %dma_start3A_51] : memref<4x96x64xf32, #tpu.memory_space<vmem>> -> memref<1x96x64xf32, #tpu.memory_space<vmem>>
    %dma_start3A_53 = tpu.memref_squeeze %dma_start3A_52 : memref<1x96x64xf32, #tpu.memory_space<vmem>> -> memref<96x64xf32, #tpu.memory_space<vmem>>
    %dma_start3A_54 = arith.constant 104 : i32
    %dma_start3A_55 = tpu.memref_slice %arg5[%dma_start3A_47, %dma_start3A_54] : memref<128x256xi32, #tpu.memory_space<vmem>> -> memref<1x96xi32, #tpu.memory_space<vmem>>
    %dma_start3A_56 = tpu.memref_squeeze %dma_start3A_55 : memref<1x96xi32, #tpu.memory_space<vmem>> -> memref<96xi32, #tpu.memory_space<vmem>>
    %dma_start3A_57 = arith.constant 0 : i32
    %dma_start3A_58 = arith.constant 0 : i32
    %dma_start3A_59 = tpu.memref_slice %arg3[%dma_start3A_57, %dma_start3A_58] : memref<1000000x64xf32, #tpu.memory_space<hbm>> -> memref<1000000x64xf32, #tpu.memory_space<hbm>>
    %dma_start3A_60 = tpu.memref_slice %arg10[%dma_start3A_49] : memref<4x!tpu.dma_semaphore, #tpu.memory_space<semaphore_mem>> -> memref<1x!tpu.dma_semaphore, #tpu.memory_space<semaphore_mem>>
    %dma_start3A_61 = tpu.memref_squeeze %dma_start3A_60 : memref<1x!tpu.dma_semaphore, #tpu.memory_space<semaphore_mem>> -> memref<!tpu.dma_semaphore, #tpu.memory_space<semaphore_mem>>
    tpu.enqueue_indirect_dma source(%dma_start3A_59 : memref<1000000x64xf32, #tpu.memory_space<hbm>>) target(%dma_start3A_53 : memref<96x64xf32, #tpu.memory_space<vmem>>) offsets(%dma_start3A_56 : memref<96xi32, #tpu.memory_space<vmem>>) semaphore(%dma_start3A_61 : memref<!tpu.dma_semaphore, #tpu.memory_space<semaphore_mem>>)
    %dma_start3A_62 = arith.constant 2 : i32
    %dma_start3A_63 = arith.constant 2 : i32
    %dma_start3A_64 = arith.constant 2 : i32
    %dma_start3A_65 = arith.constant 0 : i32
    %dma_start3A_66 = arith.constant 0 : i32
    %dma_start3A_67 = tpu.memref_slice %arg6[%dma_start3A_63, %dma_start3A_65, %dma_start3A_66] : memref<4x104x64xf32, #tpu.memory_space<vmem>> -> memref<1x104x64xf32, #tpu.memory_space<vmem>>
    %dma_start3A_68 = tpu.memref_squeeze %dma_start3A_67 : memref<1x104x64xf32, #tpu.memory_space<vmem>> -> memref<104x64xf32, #tpu.memory_space<vmem>>
    %dma_start3A_69 = arith.constant 0 : i32
    %dma_start3A_70 = tpu.memref_slice %arg5[%dma_start3A_62, %dma_start3A_69] : memref<128x256xi32, #tpu.memory_space<vmem>> -> memref<1x104xi32, #tpu.memory_space<vmem>>
    %dma_start3A_71 = tpu.memref_squeeze %dma_start3A_70 : memref<1x104xi32, #tpu.memory_space<vmem>> -> memref<104xi32, #tpu.memory_space<vmem>>
    %dma_start3A_72 = arith.constant 0 : i32
    %dma_start3A_73 = arith.constant 0 : i32
    %dma_start3A_74 = tpu.memref_slice %arg3[%dma_start3A_72, %dma_start3A_73] : memref<1000000x64xf32, #tpu.memory_space<hbm>> -> memref<1000000x64xf32, #tpu.memory_space<hbm>>
    %dma_start3A_75 = tpu.memref_slice %arg9[%dma_start3A_64] : memref<4x!tpu.dma_semaphore, #tpu.memory_space<semaphore_mem>> -> memref<1x!tpu.dma_semaphore, #tpu.memory_space<semaphore_mem>>
    %dma_start3A_76 = tpu.memref_squeeze %dma_start3A_75 : memref<1x!tpu.dma_semaphore, #tpu.memory_space<semaphore_mem>> -> memref<!tpu.dma_semaphore, #tpu.memory_space<semaphore_mem>>
    tpu.enqueue_indirect_dma source(%dma_start3A_74 : memref<1000000x64xf32, #tpu.memory_space<hbm>>) target(%dma_start3A_68 : memref<104x64xf32, #tpu.memory_space<vmem>>) offsets(%dma_start3A_71 : memref<104xi32, #tpu.memory_space<vmem>>) semaphore(%dma_start3A_76 : memref<!tpu.dma_semaphore, #tpu.memory_space<semaphore_mem>>)
    %dma_start3A_77 = arith.constant 2 : i32
    %dma_start3A_78 = arith.constant 2 : i32
    %dma_start3A_79 = arith.constant 2 : i32
    %dma_start3A_80 = arith.constant 0 : i32
    %dma_start3A_81 = arith.constant 0 : i32
    %dma_start3A_82 = tpu.memref_slice %arg7[%dma_start3A_78, %dma_start3A_80, %dma_start3A_81] : memref<4x96x64xf32, #tpu.memory_space<vmem>> -> memref<1x96x64xf32, #tpu.memory_space<vmem>>
    %dma_start3A_83 = tpu.memref_squeeze %dma_start3A_82 : memref<1x96x64xf32, #tpu.memory_space<vmem>> -> memref<96x64xf32, #tpu.memory_space<vmem>>
    %dma_start3A_84 = arith.constant 104 : i32
    %dma_start3A_85 = tpu.memref_slice %arg5[%dma_start3A_77, %dma_start3A_84] : memref<128x256xi32, #tpu.memory_space<vmem>> -> memref<1x96xi32, #tpu.memory_space<vmem>>
    %dma_start3A_86 = tpu.memref_squeeze %dma_start3A_85 : memref<1x96xi32, #tpu.memory_space<vmem>> -> memref<96xi32, #tpu.memory_space<vmem>>
    %dma_start3A_87 = arith.constant 0 : i32
    %dma_start3A_88 = arith.constant 0 : i32
    %dma_start3A_89 = tpu.memref_slice %arg3[%dma_start3A_87, %dma_start3A_88] : memref<1000000x64xf32, #tpu.memory_space<hbm>> -> memref<1000000x64xf32, #tpu.memory_space<hbm>>
    %dma_start3A_90 = tpu.memref_slice %arg10[%dma_start3A_79] : memref<4x!tpu.dma_semaphore, #tpu.memory_space<semaphore_mem>> -> memref<1x!tpu.dma_semaphore, #tpu.memory_space<semaphore_mem>>
    %dma_start3A_91 = tpu.memref_squeeze %dma_start3A_90 : memref<1x!tpu.dma_semaphore, #tpu.memory_space<semaphore_mem>> -> memref<!tpu.dma_semaphore, #tpu.memory_space<semaphore_mem>>
    tpu.enqueue_indirect_dma source(%dma_start3A_89 : memref<1000000x64xf32, #tpu.memory_space<hbm>>) target(%dma_start3A_83 : memref<96x64xf32, #tpu.memory_space<vmem>>) offsets(%dma_start3A_86 : memref<96xi32, #tpu.memory_space<vmem>>) semaphore(%dma_start3A_91 : memref<!tpu.dma_semaphore, #tpu.memory_space<semaphore_mem>>)
    %dma_start3A_92 = arith.constant 3 : i32
    %dma_start3A_93 = arith.constant 3 : i32
    %dma_start3A_94 = arith.constant 3 : i32
    %dma_start3A_95 = arith.constant 0 : i32
    %dma_start3A_96 = arith.constant 0 : i32
    %dma_start3A_97 = tpu.memref_slice %arg6[%dma_start3A_93, %dma_start3A_95, %dma_start3A_96] : memref<4x104x64xf32, #tpu.memory_space<vmem>> -> memref<1x104x64xf32, #tpu.memory_space<vmem>>
    %dma_start3A_98 = tpu.memref_squeeze %dma_start3A_97 : memref<1x104x64xf32, #tpu.memory_space<vmem>> -> memref<104x64xf32, #tpu.memory_space<vmem>>
    %dma_start3A_99 = arith.constant 0 : i32
    %dma_start3A_100 = tpu.memref_slice %arg5[%dma_start3A_92, %dma_start3A_99] : memref<128x256xi32, #tpu.memory_space<vmem>> -> memref<1x104xi32, #tpu.memory_space<vmem>>
    %dma_start3A_101 = tpu.memref_squeeze %dma_start3A_100 : memref<1x104xi32, #tpu.memory_space<vmem>> -> memref<104xi32, #tpu.memory_space<vmem>>
    %dma_start3A_102 = arith.constant 0 : i32
    %dma_start3A_103 = arith.constant 0 : i32
    %dma_start3A_104 = tpu.memref_slice %arg3[%dma_start3A_102, %dma_start3A_103] : memref<1000000x64xf32, #tpu.memory_space<hbm>> -> memref<1000000x64xf32, #tpu.memory_space<hbm>>
    %dma_start3A_105 = tpu.memref_slice %arg9[%dma_start3A_94] : memref<4x!tpu.dma_semaphore, #tpu.memory_space<semaphore_mem>> -> memref<1x!tpu.dma_semaphore, #tpu.memory_space<semaphore_mem>>
    %dma_start3A_106 = tpu.memref_squeeze %dma_start3A_105 : memref<1x!tpu.dma_semaphore, #tpu.memory_space<semaphore_mem>> -> memref<!tpu.dma_semaphore, #tpu.memory_space<semaphore_mem>>
    tpu.enqueue_indirect_dma source(%dma_start3A_104 : memref<1000000x64xf32, #tpu.memory_space<hbm>>) target(%dma_start3A_98 : memref<104x64xf32, #tpu.memory_space<vmem>>) offsets(%dma_start3A_101 : memref<104xi32, #tpu.memory_space<vmem>>) semaphore(%dma_start3A_106 : memref<!tpu.dma_semaphore, #tpu.memory_space<semaphore_mem>>)
    %dma_start3A_107 = arith.constant 3 : i32
    %dma_start3A_108 = arith.constant 3 : i32
    %dma_start3A_109 = arith.constant 3 : i32
    %dma_start3A_110 = arith.constant 0 : i32
    %dma_start3A_111 = arith.constant 0 : i32
    %dma_start3A_112 = tpu.memref_slice %arg7[%dma_start3A_108, %dma_start3A_110, %dma_start3A_111] : memref<4x96x64xf32, #tpu.memory_space<vmem>> -> memref<1x96x64xf32, #tpu.memory_space<vmem>>
    %dma_start3A_113 = tpu.memref_squeeze %dma_start3A_112 : memref<1x96x64xf32, #tpu.memory_space<vmem>> -> memref<96x64xf32, #tpu.memory_space<vmem>>
    %dma_start3A_114 = arith.constant 104 : i32
    %dma_start3A_115 = tpu.memref_slice %arg5[%dma_start3A_107, %dma_start3A_114] : memref<128x256xi32, #tpu.memory_space<vmem>> -> memref<1x96xi32, #tpu.memory_space<vmem>>
    %dma_start3A_116 = tpu.memref_squeeze %dma_start3A_115 : memref<1x96xi32, #tpu.memory_space<vmem>> -> memref<96xi32, #tpu.memory_space<vmem>>
    %dma_start3A_117 = arith.constant 0 : i32
    %dma_start3A_118 = arith.constant 0 : i32
    %dma_start3A_119 = tpu.memref_slice %arg3[%dma_start3A_117, %dma_start3A_118] : memref<1000000x64xf32, #tpu.memory_space<hbm>> -> memref<1000000x64xf32, #tpu.memory_space<hbm>>
    %dma_start3A_120 = tpu.memref_slice %arg10[%dma_start3A_109] : memref<4x!tpu.dma_semaphore, #tpu.memory_space<semaphore_mem>> -> memref<1x!tpu.dma_semaphore, #tpu.memory_space<semaphore_mem>>
    %dma_start3A_121 = tpu.memref_squeeze %dma_start3A_120 : memref<1x!tpu.dma_semaphore, #tpu.memory_space<semaphore_mem>> -> memref<!tpu.dma_semaphore, #tpu.memory_space<semaphore_mem>>
    tpu.enqueue_indirect_dma source(%dma_start3A_119 : memref<1000000x64xf32, #tpu.memory_space<hbm>>) target(%dma_start3A_113 : memref<96x64xf32, #tpu.memory_space<vmem>>) offsets(%dma_start3A_116 : memref<96xi32, #tpu.memory_space<vmem>>) semaphore(%dma_start3A_121 : memref<!tpu.dma_semaphore, #tpu.memory_space<semaphore_mem>>)
    %scan3A = arith.constant 0 : i32
    %scan3A_122 = arith.constant 32 : i32
    %scan3A_123 = arith.addi %scan3A, %scan3A_122 : i32
    %scan3A_124 = arith.constant 1 : i32
    scf.for %scan3A_126 = %scan3A to %scan3A_123 step %scan3A_124  : i32 {
      %mul3A_127 = arith.constant 4 : i32
      %mul3A_128 = arith.muli %scan3A_126, %mul3A_127 : i32
      %add3A_129 = arith.constant 0 : i32
      %add3A_130 = arith.addi %add3A_129, %mul3A_128 : i32
      %broadcast_in_dim3A = arith.constant 0.000000e+00 : f32
      %broadcast_in_dim3A_131 = vector.broadcast %broadcast_in_dim3A : f32 to vector<16xf32>
      %broadcast_in_dim3A_132 = arith.constant 0.000000e+00 : f32
      %broadcast_in_dim3A_133 = vector.broadcast %broadcast_in_dim3A_132 : f32 to vector<16xf32>
      %broadcast_in_dim3A_134 = arith.constant 0.000000e+00 : f32
      %broadcast_in_dim3A_135 = vector.broadcast %broadcast_in_dim3A_134 : f32 to vector<16xf32>
      %broadcast_in_dim3A_136 = arith.constant 0.000000e+00 : f32
      %broadcast_in_dim3A_137 = vector.broadcast %broadcast_in_dim3A_136 : f32 to vector<16xf32>
      %dma_wait3A = arith.constant 0 : i32
      %dma_wait3A_138 = arith.constant 0 : i32
      %dma_wait3A_139 = arith.constant 0 : i32
      %dma_wait3A_140 = arith.constant 0 : i32
      %dma_wait3A_141 = arith.constant 0 : i32
      %dma_wait3A_142 = tpu.memref_slice %arg6[%dma_wait3A_138, %dma_wait3A_140, %dma_wait3A_141] : memref<4x104x64xf32, #tpu.memory_space<vmem>> -> memref<1x104x64xf32, #tpu.memory_space<vmem>>
      %dma_wait3A_143 = tpu.memref_squeeze %dma_wait3A_142 : memref<1x104x64xf32, #tpu.memory_space<vmem>> -> memref<104x64xf32, #tpu.memory_space<vmem>>
      %dma_wait3A_144 = arith.constant 0 : i32
      %dma_wait3A_145 = tpu.memref_slice %arg5[%dma_wait3A, %dma_wait3A_144] : memref<128x256xi32, #tpu.memory_space<vmem>> -> memref<1x104xi32, #tpu.memory_space<vmem>>
      %dma_wait3A_146 = tpu.memref_squeeze %dma_wait3A_145 : memref<1x104xi32, #tpu.memory_space<vmem>> -> memref<104xi32, #tpu.memory_space<vmem>>
      %dma_wait3A_147 = arith.constant 0 : i32
      %dma_wait3A_148 = arith.constant 0 : i32
      %dma_wait3A_149 = tpu.memref_slice %arg3[%dma_wait3A_147, %dma_wait3A_148] : memref<1000000x64xf32, #tpu.memory_space<hbm>> -> memref<1000000x64xf32, #tpu.memory_space<hbm>>
      %dma_wait3A_150 = tpu.memref_slice %arg9[%dma_wait3A_139] : memref<4x!tpu.dma_semaphore, #tpu.memory_space<semaphore_mem>> -> memref<1x!tpu.dma_semaphore, #tpu.memory_space<semaphore_mem>>
      %dma_wait3A_151 = tpu.memref_squeeze %dma_wait3A_150 : memref<1x!tpu.dma_semaphore, #tpu.memory_space<semaphore_mem>> -> memref<!tpu.dma_semaphore, #tpu.memory_space<semaphore_mem>>
      tpu.wait_indirect_dma semaphore(%dma_wait3A_151 : memref<!tpu.dma_semaphore, #tpu.memory_space<semaphore_mem>>) src(%dma_wait3A_149 : memref<1000000x64xf32, #tpu.memory_space<hbm>>) dst(%dma_wait3A_143 : memref<104x64xf32, #tpu.memory_space<vmem>>)
      %scan3A_152 = arith.constant 0 : i32
      %scan3A_153 = arith.constant 0 : i32
      %scan3A_154 = arith.constant 52 : i32
      %scan3A_155 = arith.addi %scan3A_153, %scan3A_154 : i32
      %scan3A_156 = arith.constant 1 : i32
      %scan3A_157:4 = scf.for %scan3A_565 = %scan3A_153 to %scan3A_155 step %scan3A_156 iter_args(%scan3A_566 = %broadcast_in_dim3A_131, %scan3A_567 = %broadcast_in_dim3A_133, %scan3A_568 = %broadcast_in_dim3A_135, %scan3A_569 = %broadcast_in_dim3A_137) -> (vector<16xf32>, vector<16xf32>, vector<16xf32>, vector<16xf32>)  : i32 {
        %mul3A_570 = arith.constant 2 : i32
        %mul3A_571 = arith.muli %scan3A_565, %mul3A_570 : i32
        %get3A = arith.constant 0 : i32
        %get3A_572 = arith.constant 0 : i32
        %get3A_573 = tpu.memref_slice %arg6[%scan3A_152, %get3A, %get3A_572] : memref<4x104x64xf32, #tpu.memory_space<vmem>> -> memref<1x104x64xf32, #tpu.memory_space<vmem>>
        %get3A_574 = tpu.memref_squeeze %get3A_573 : memref<1x104x64xf32, #tpu.memory_space<vmem>> -> memref<104x64xf32, #tpu.memory_space<vmem>>
        %get3A_575 = arith.index_cast %mul3A_571 : i32 to index
        %get3A_576 = arith.constant 0 : index
        %get3A_577 = tpu.vector_load %get3A_574[%get3A_575, %get3A_576] {strides = array<i32>} : memref<104x64xf32, #tpu.memory_space<vmem>>, vector<1x16xf32>,
        %get3A_578 = vector.shape_cast %get3A_577 : vector<1x16xf32> to vector<16xf32>
        %add3A_579 = arith.addf %scan3A_566, %get3A_578 : vector<16xf32>
        %add3A_580 = arith.constant 1 : i32
        %add3A_581 = arith.addi %mul3A_571, %add3A_580 : i32
        %get3A_582 = arith.constant 0 : i32
        %get3A_583 = arith.constant 0 : i32
        %get3A_584 = tpu.memref_slice %arg6[%scan3A_152, %get3A_582, %get3A_583] : memref<4x104x64xf32, #tpu.memory_space<vmem>> -> memref<1x104x64xf32, #tpu.memory_space<vmem>>
        %get3A_585 = tpu.memref_squeeze %get3A_584 : memref<1x104x64xf32, #tpu.memory_space<vmem>> -> memref<104x64xf32, #tpu.memory_space<vmem>>
        %get3A_586 = arith.index_cast %add3A_581 : i32 to index
        %get3A_587 = arith.constant 0 : index
        %get3A_588 = tpu.vector_load %get3A_585[%get3A_586, %get3A_587] {strides = array<i32>} : memref<104x64xf32, #tpu.memory_space<vmem>>, vector<1x16xf32>,
        %get3A_589 = vector.shape_cast %get3A_588 : vector<1x16xf32> to vector<16xf32>
        %add3A_590 = arith.addf %add3A_579, %get3A_589 : vector<16xf32>
        %get3A_591 = arith.constant 0 : i32
        %get3A_592 = arith.constant 0 : i32
        %get3A_593 = tpu.memref_slice %arg6[%scan3A_152, %get3A_591, %get3A_592] : memref<4x104x64xf32, #tpu.memory_space<vmem>> -> memref<1x104x64xf32, #tpu.memory_space<vmem>>
        %get3A_594 = tpu.memref_squeeze %get3A_593 : memref<1x104x64xf32, #tpu.memory_space<vmem>> -> memref<104x64xf32, #tpu.memory_space<vmem>>
        %get3A_595 = arith.index_cast %mul3A_571 : i32 to index
        %get3A_596 = arith.constant 16 : index
        %get3A_597 = tpu.vector_load %get3A_594[%get3A_595, %get3A_596] {strides = array<i32>} : memref<104x64xf32, #tpu.memory_space<vmem>>, vector<1x16xf32>,
        %get3A_598 = vector.shape_cast %get3A_597 : vector<1x16xf32> to vector<16xf32>
        %add3A_599 = arith.addf %scan3A_567, %get3A_598 : vector<16xf32>
        %add3A_600 = arith.constant 1 : i32
        %add3A_601 = arith.addi %mul3A_571, %add3A_600 : i32
        %get3A_602 = arith.constant 0 : i32
        %get3A_603 = arith.constant 0 : i32
        %get3A_604 = tpu.memref_slice %arg6[%scan3A_152, %get3A_602, %get3A_603] : memref<4x104x64xf32, #tpu.memory_space<vmem>> -> memref<1x104x64xf32, #tpu.memory_space<vmem>>
        %get3A_605 = tpu.memref_squeeze %get3A_604 : memref<1x104x64xf32, #tpu.memory_space<vmem>> -> memref<104x64xf32, #tpu.memory_space<vmem>>
        %get3A_606 = arith.index_cast %add3A_601 : i32 to index
        %get3A_607 = arith.constant 16 : index
        %get3A_608 = tpu.vector_load %get3A_605[%get3A_606, %get3A_607] {strides = array<i32>} : memref<104x64xf32, #tpu.memory_space<vmem>>, vector<1x16xf32>,
        %get3A_609 = vector.shape_cast %get3A_608 : vector<1x16xf32> to vector<16xf32>
        %add3A_610 = arith.addf %add3A_599, %get3A_609 : vector<16xf32>
        %get3A_611 = arith.constant 0 : i32
        %get3A_612 = arith.constant 0 : i32
        %get3A_613 = tpu.memref_slice %arg6[%scan3A_152, %get3A_611, %get3A_612] : memref<4x104x64xf32, #tpu.memory_space<vmem>> -> memref<1x104x64xf32, #tpu.memory_space<vmem>>
        %get3A_614 = tpu.memref_squeeze %get3A_613 : memref<1x104x64xf32, #tpu.memory_space<vmem>> -> memref<104x64xf32, #tpu.memory_space<vmem>>
        %get3A_615 = arith.index_cast %mul3A_571 : i32 to index
        %get3A_616 = arith.constant 32 : index
        %get3A_617 = tpu.vector_load %get3A_614[%get3A_615, %get3A_616] {strides = array<i32>} : memref<104x64xf32, #tpu.memory_space<vmem>>, vector<1x16xf32>,
        %get3A_618 = vector.shape_cast %get3A_617 : vector<1x16xf32> to vector<16xf32>
        %add3A_619 = arith.addf %scan3A_568, %get3A_618 : vector<16xf32>
        %add3A_620 = arith.constant 1 : i32
        %add3A_621 = arith.addi %mul3A_571, %add3A_620 : i32
        %get3A_622 = arith.constant 0 : i32
        %get3A_623 = arith.constant 0 : i32
        %get3A_624 = tpu.memref_slice %arg6[%scan3A_152, %get3A_622, %get3A_623] : memref<4x104x64xf32, #tpu.memory_space<vmem>> -> memref<1x104x64xf32, #tpu.memory_space<vmem>>
        %get3A_625 = tpu.memref_squeeze %get3A_624 : memref<1x104x64xf32, #tpu.memory_space<vmem>> -> memref<104x64xf32, #tpu.memory_space<vmem>>
        %get3A_626 = arith.index_cast %add3A_621 : i32 to index
        %get3A_627 = arith.constant 32 : index
        %get3A_628 = tpu.vector_load %get3A_625[%get3A_626, %get3A_627] {strides = array<i32>} : memref<104x64xf32, #tpu.memory_space<vmem>>, vector<1x16xf32>,
        %get3A_629 = vector.shape_cast %get3A_628 : vector<1x16xf32> to vector<16xf32>
        %add3A_630 = arith.addf %add3A_619, %get3A_629 : vector<16xf32>
        %get3A_631 = arith.constant 0 : i32
        %get3A_632 = arith.constant 0 : i32
        %get3A_633 = tpu.memref_slice %arg6[%scan3A_152, %get3A_631, %get3A_632] : memref<4x104x64xf32, #tpu.memory_space<vmem>> -> memref<1x104x64xf32, #tpu.memory_space<vmem>>
        %get3A_634 = tpu.memref_squeeze %get3A_633 : memref<1x104x64xf32, #tpu.memory_space<vmem>> -> memref<104x64xf32, #tpu.memory_space<vmem>>
        %get3A_635 = arith.index_cast %mul3A_571 : i32 to index
        %get3A_636 = arith.constant 48 : index
        %get3A_637 = tpu.vector_load %get3A_634[%get3A_635, %get3A_636] {strides = array<i32>} : memref<104x64xf32, #tpu.memory_space<vmem>>, vector<1x16xf32>,
        %get3A_638 = vector.shape_cast %get3A_637 : vector<1x16xf32> to vector<16xf32>
        %add3A_639 = arith.addf %scan3A_569, %get3A_638 : vector<16xf32>
        %add3A_640 = arith.constant 1 : i32
        %add3A_641 = arith.addi %mul3A_571, %add3A_640 : i32
        %get3A_642 = arith.constant 0 : i32
        %get3A_643 = arith.constant 0 : i32
        %get3A_644 = tpu.memref_slice %arg6[%scan3A_152, %get3A_642, %get3A_643] : memref<4x104x64xf32, #tpu.memory_space<vmem>> -> memref<1x104x64xf32, #tpu.memory_space<vmem>>
        %get3A_645 = tpu.memref_squeeze %get3A_644 : memref<1x104x64xf32, #tpu.memory_space<vmem>> -> memref<104x64xf32, #tpu.memory_space<vmem>>
        %get3A_646 = arith.index_cast %add3A_641 : i32 to index
        %get3A_647 = arith.constant 48 : index
        %get3A_648 = tpu.vector_load %get3A_645[%get3A_646, %get3A_647] {strides = array<i32>} : memref<104x64xf32, #tpu.memory_space<vmem>>, vector<1x16xf32>,
        %get3A_649 = vector.shape_cast %get3A_648 : vector<1x16xf32> to vector<16xf32>
        %add3A_650 = arith.addf %add3A_639, %get3A_649 : vector<16xf32>
        scf.yield %add3A_590, %add3A_610, %add3A_630, %add3A_650 : vector<16xf32>, vector<16xf32>, vector<16xf32>, vector<16xf32>
      }
      %scan3A_158 = arith.constant 52 : i32
      %add3A_159 = arith.constant 0 : i32
      %add3A_160 = arith.addi %add3A_130, %add3A_159 : i32
      %add3A_161 = arith.constant 4 : i32
      %add3A_162 = arith.addi %add3A_160, %add3A_161 : i32
      %lt3A = arith.constant 128 : i32
      %lt3A_163 = arith.cmpi slt, %add3A_162, %lt3A : i32
      %convert_element_type3A = arith.extui %lt3A_163 : i1 to i32
      %cond3A = arith.constant 0 : i32
      %cond3A_164 = arith.cmpi ne, %convert_element_type3A, %cond3A : i32
      scf.if %cond3A_164 {
        %add3A_565 = arith.constant 0 : i32
        %add3A_566 = arith.addi %add3A_130, %add3A_565 : i32
        %add3A_567 = arith.constant 4 : i32
        %add3A_568 = arith.addi %add3A_566, %add3A_567 : i32
        %dma_start3A_569 = arith.constant 0 : i32
        %dma_start3A_570 = arith.constant 0 : i32
        %dma_start3A_571 = arith.constant 0 : i32
        %dma_start3A_572 = arith.constant 0 : i32
        %dma_start3A_573 = tpu.memref_slice %arg6[%dma_start3A_569, %dma_start3A_571, %dma_start3A_572] : memref<4x104x64xf32, #tpu.memory_space<vmem>> -> memref<1x104x64xf32, #tpu.memory_space<vmem>>
        %dma_start3A_574 = tpu.memref_squeeze %dma_start3A_573 : memref<1x104x64xf32, #tpu.memory_space<vmem>> -> memref<104x64xf32, #tpu.memory_space<vmem>>
        %dma_start3A_575 = arith.constant 0 : i32
        %dma_start3A_576 = tpu.memref_slice %arg5[%add3A_568, %dma_start3A_575] : memref<128x256xi32, #tpu.memory_space<vmem>> -> memref<1x104xi32, #tpu.memory_space<vmem>>
        %dma_start3A_577 = tpu.memref_squeeze %dma_start3A_576 : memref<1x104xi32, #tpu.memory_space<vmem>> -> memref<104xi32, #tpu.memory_space<vmem>>
        %dma_start3A_578 = arith.constant 0 : i32
        %dma_start3A_579 = arith.constant 0 : i32
        %dma_start3A_580 = tpu.memref_slice %arg3[%dma_start3A_578, %dma_start3A_579] : memref<1000000x64xf32, #tpu.memory_space<hbm>> -> memref<1000000x64xf32, #tpu.memory_space<hbm>>
        %dma_start3A_581 = tpu.memref_slice %arg9[%dma_start3A_570] : memref<4x!tpu.dma_semaphore, #tpu.memory_space<semaphore_mem>> -> memref<1x!tpu.dma_semaphore, #tpu.memory_space<semaphore_mem>>
        %dma_start3A_582 = tpu.memref_squeeze %dma_start3A_581 : memref<1x!tpu.dma_semaphore, #tpu.memory_space<semaphore_mem>> -> memref<!tpu.dma_semaphore, #tpu.memory_space<semaphore_mem>>
        tpu.enqueue_indirect_dma source(%dma_start3A_580 : memref<1000000x64xf32, #tpu.memory_space<hbm>>) target(%dma_start3A_574 : memref<104x64xf32, #tpu.memory_space<vmem>>) offsets(%dma_start3A_577 : memref<104xi32, #tpu.memory_space<vmem>>) semaphore(%dma_start3A_582 : memref<!tpu.dma_semaphore, #tpu.memory_space<semaphore_mem>>)
      } else {
      }
      %dma_wait3A_165 = arith.constant 0 : i32
      %dma_wait3A_166 = arith.constant 0 : i32
      %dma_wait3A_167 = arith.constant 0 : i32
      %dma_wait3A_168 = arith.constant 0 : i32
      %dma_wait3A_169 = arith.constant 0 : i32
      %dma_wait3A_170 = tpu.memref_slice %arg7[%dma_wait3A_166, %dma_wait3A_168, %dma_wait3A_169] : memref<4x96x64xf32, #tpu.memory_space<vmem>> -> memref<1x96x64xf32, #tpu.memory_space<vmem>>
      %dma_wait3A_171 = tpu.memref_squeeze %dma_wait3A_170 : memref<1x96x64xf32, #tpu.memory_space<vmem>> -> memref<96x64xf32, #tpu.memory_space<vmem>>
      %dma_wait3A_172 = arith.constant 104 : i32
      %dma_wait3A_173 = tpu.memref_slice %arg5[%dma_wait3A_165, %dma_wait3A_172] : memref<128x256xi32, #tpu.memory_space<vmem>> -> memref<1x96xi32, #tpu.memory_space<vmem>>
      %dma_wait3A_174 = tpu.memref_squeeze %dma_wait3A_173 : memref<1x96xi32, #tpu.memory_space<vmem>> -> memref<96xi32, #tpu.memory_space<vmem>>
      %dma_wait3A_175 = arith.constant 0 : i32
      %dma_wait3A_176 = arith.constant 0 : i32
      %dma_wait3A_177 = tpu.memref_slice %arg3[%dma_wait3A_175, %dma_wait3A_176] : memref<1000000x64xf32, #tpu.memory_space<hbm>> -> memref<1000000x64xf32, #tpu.memory_space<hbm>>
      %dma_wait3A_178 = tpu.memref_slice %arg10[%dma_wait3A_167] : memref<4x!tpu.dma_semaphore, #tpu.memory_space<semaphore_mem>> -> memref<1x!tpu.dma_semaphore, #tpu.memory_space<semaphore_mem>>
      %dma_wait3A_179 = tpu.memref_squeeze %dma_wait3A_178 : memref<1x!tpu.dma_semaphore, #tpu.memory_space<semaphore_mem>> -> memref<!tpu.dma_semaphore, #tpu.memory_space<semaphore_mem>>
      tpu.wait_indirect_dma semaphore(%dma_wait3A_179 : memref<!tpu.dma_semaphore, #tpu.memory_space<semaphore_mem>>) src(%dma_wait3A_177 : memref<1000000x64xf32, #tpu.memory_space<hbm>>) dst(%dma_wait3A_171 : memref<96x64xf32, #tpu.memory_space<vmem>>)
      %scan3A_180 = arith.constant 0 : i32
      %scan3A_181 = arith.constant 0 : i32
      %scan3A_182 = arith.constant 48 : i32
      %scan3A_183 = arith.addi %scan3A_181, %scan3A_182 : i32
      %scan3A_184 = arith.constant 1 : i32
      %scan3A_185:4 = scf.for %scan3A_565 = %scan3A_181 to %scan3A_183 step %scan3A_184 iter_args(%scan3A_566 = %scan3A_157#0, %scan3A_567 = %scan3A_157#1, %scan3A_568 = %scan3A_157#2, %scan3A_569 = %scan3A_157#3) -> (vector<16xf32>, vector<16xf32>, vector<16xf32>, vector<16xf32>)  : i32 {
        %mul3A_570 = arith.constant 2 : i32
        %mul3A_571 = arith.muli %scan3A_565, %mul3A_570 : i32
        %get3A = arith.constant 0 : i32
        %get3A_572 = arith.constant 0 : i32
        %get3A_573 = tpu.memref_slice %arg7[%scan3A_180, %get3A, %get3A_572] : memref<4x96x64xf32, #tpu.memory_space<vmem>> -> memref<1x96x64xf32, #tpu.memory_space<vmem>>
        %get3A_574 = tpu.memref_squeeze %get3A_573 : memref<1x96x64xf32, #tpu.memory_space<vmem>> -> memref<96x64xf32, #tpu.memory_space<vmem>>
        %get3A_575 = arith.index_cast %mul3A_571 : i32 to index
        %get3A_576 = arith.constant 0 : index
        %get3A_577 = tpu.vector_load %get3A_574[%get3A_575, %get3A_576] {strides = array<i32>} : memref<96x64xf32, #tpu.memory_space<vmem>>, vector<1x16xf32>,
        %get3A_578 = vector.shape_cast %get3A_577 : vector<1x16xf32> to vector<16xf32>
        %add3A_579 = arith.addf %scan3A_566, %get3A_578 : vector<16xf32>
        %add3A_580 = arith.constant 1 : i32
        %add3A_581 = arith.addi %mul3A_571, %add3A_580 : i32
        %get3A_582 = arith.constant 0 : i32
        %get3A_583 = arith.constant 0 : i32
        %get3A_584 = tpu.memref_slice %arg7[%scan3A_180, %get3A_582, %get3A_583] : memref<4x96x64xf32, #tpu.memory_space<vmem>> -> memref<1x96x64xf32, #tpu.memory_space<vmem>>
        %get3A_585 = tpu.memref_squeeze %get3A_584 : memref<1x96x64xf32, #tpu.memory_space<vmem>> -> memref<96x64xf32, #tpu.memory_space<vmem>>
        %get3A_586 = arith.index_cast %add3A_581 : i32 to index
        %get3A_587 = arith.constant 0 : index
        %get3A_588 = tpu.vector_load %get3A_585[%get3A_586, %get3A_587] {strides = array<i32>} : memref<96x64xf32, #tpu.memory_space<vmem>>, vector<1x16xf32>,
        %get3A_589 = vector.shape_cast %get3A_588 : vector<1x16xf32> to vector<16xf32>
        %add3A_590 = arith.addf %add3A_579, %get3A_589 : vector<16xf32>
        %get3A_591 = arith.constant 0 : i32
        %get3A_592 = arith.constant 0 : i32
        %get3A_593 = tpu.memref_slice %arg7[%scan3A_180, %get3A_591, %get3A_592] : memref<4x96x64xf32, #tpu.memory_space<vmem>> -> memref<1x96x64xf32, #tpu.memory_space<vmem>>
        %get3A_594 = tpu.memref_squeeze %get3A_593 : memref<1x96x64xf32, #tpu.memory_space<vmem>> -> memref<96x64xf32, #tpu.memory_space<vmem>>
        %get3A_595 = arith.index_cast %mul3A_571 : i32 to index
        %get3A_596 = arith.constant 16 : index
        %get3A_597 = tpu.vector_load %get3A_594[%get3A_595, %get3A_596] {strides = array<i32>} : memref<96x64xf32, #tpu.memory_space<vmem>>, vector<1x16xf32>,
        %get3A_598 = vector.shape_cast %get3A_597 : vector<1x16xf32> to vector<16xf32>
        %add3A_599 = arith.addf %scan3A_567, %get3A_598 : vector<16xf32>
        %add3A_600 = arith.constant 1 : i32
        %add3A_601 = arith.addi %mul3A_571, %add3A_600 : i32
        %get3A_602 = arith.constant 0 : i32
        %get3A_603 = arith.constant 0 : i32
        %get3A_604 = tpu.memref_slice %arg7[%scan3A_180, %get3A_602, %get3A_603] : memref<4x96x64xf32, #tpu.memory_space<vmem>> -> memref<1x96x64xf32, #tpu.memory_space<vmem>>
        %get3A_605 = tpu.memref_squeeze %get3A_604 : memref<1x96x64xf32, #tpu.memory_space<vmem>> -> memref<96x64xf32, #tpu.memory_space<vmem>>
        %get3A_606 = arith.index_cast %add3A_601 : i32 to index
        %get3A_607 = arith.constant 16 : index
        %get3A_608 = tpu.vector_load %get3A_605[%get3A_606, %get3A_607] {strides = array<i32>} : memref<96x64xf32, #tpu.memory_space<vmem>>, vector<1x16xf32>,
        %get3A_609 = vector.shape_cast %get3A_608 : vector<1x16xf32> to vector<16xf32>
        %add3A_610 = arith.addf %add3A_599, %get3A_609 : vector<16xf32>
        %get3A_611 = arith.constant 0 : i32
        %get3A_612 = arith.constant 0 : i32
        %get3A_613 = tpu.memref_slice %arg7[%scan3A_180, %get3A_611, %get3A_612] : memref<4x96x64xf32, #tpu.memory_space<vmem>> -> memref<1x96x64xf32, #tpu.memory_space<vmem>>
        %get3A_614 = tpu.memref_squeeze %get3A_613 : memref<1x96x64xf32, #tpu.memory_space<vmem>> -> memref<96x64xf32, #tpu.memory_space<vmem>>
        %get3A_615 = arith.index_cast %mul3A_571 : i32 to index
        %get3A_616 = arith.constant 32 : index
        %get3A_617 = tpu.vector_load %get3A_614[%get3A_615, %get3A_616] {strides = array<i32>} : memref<96x64xf32, #tpu.memory_space<vmem>>, vector<1x16xf32>,
        %get3A_618 = vector.shape_cast %get3A_617 : vector<1x16xf32> to vector<16xf32>
        %add3A_619 = arith.addf %scan3A_568, %get3A_618 : vector<16xf32>
        %add3A_620 = arith.constant 1 : i32
        %add3A_621 = arith.addi %mul3A_571, %add3A_620 : i32
        %get3A_622 = arith.constant 0 : i32
        %get3A_623 = arith.constant 0 : i32
        %get3A_624 = tpu.memref_slice %arg7[%scan3A_180, %get3A_622, %get3A_623] : memref<4x96x64xf32, #tpu.memory_space<vmem>> -> memref<1x96x64xf32, #tpu.memory_space<vmem>>
        %get3A_625 = tpu.memref_squeeze %get3A_624 : memref<1x96x64xf32, #tpu.memory_space<vmem>> -> memref<96x64xf32, #tpu.memory_space<vmem>>
        %get3A_626 = arith.index_cast %add3A_621 : i32 to index
        %get3A_627 = arith.constant 32 : index
        %get3A_628 = tpu.vector_load %get3A_625[%get3A_626, %get3A_627] {strides = array<i32>} : memref<96x64xf32, #tpu.memory_space<vmem>>, vector<1x16xf32>,
        %get3A_629 = vector.shape_cast %get3A_628 : vector<1x16xf32> to vector<16xf32>
        %add3A_630 = arith.addf %add3A_619, %get3A_629 : vector<16xf32>
        %get3A_631 = arith.constant 0 : i32
        %get3A_632 = arith.constant 0 : i32
        %get3A_633 = tpu.memref_slice %arg7[%scan3A_180, %get3A_631, %get3A_632] : memref<4x96x64xf32, #tpu.memory_space<vmem>> -> memref<1x96x64xf32, #tpu.memory_space<vmem>>
        %get3A_634 = tpu.memref_squeeze %get3A_633 : memref<1x96x64xf32, #tpu.memory_space<vmem>> -> memref<96x64xf32, #tpu.memory_space<vmem>>
        %get3A_635 = arith.index_cast %mul3A_571 : i32 to index
        %get3A_636 = arith.constant 48 : index
        %get3A_637 = tpu.vector_load %get3A_634[%get3A_635, %get3A_636] {strides = array<i32>} : memref<96x64xf32, #tpu.memory_space<vmem>>, vector<1x16xf32>,
        %get3A_638 = vector.shape_cast %get3A_637 : vector<1x16xf32> to vector<16xf32>
        %add3A_639 = arith.addf %scan3A_569, %get3A_638 : vector<16xf32>
        %add3A_640 = arith.constant 1 : i32
        %add3A_641 = arith.addi %mul3A_571, %add3A_640 : i32
        %get3A_642 = arith.constant 0 : i32
        %get3A_643 = arith.constant 0 : i32
        %get3A_644 = tpu.memref_slice %arg7[%scan3A_180, %get3A_642, %get3A_643] : memref<4x96x64xf32, #tpu.memory_space<vmem>> -> memref<1x96x64xf32, #tpu.memory_space<vmem>>
        %get3A_645 = tpu.memref_squeeze %get3A_644 : memref<1x96x64xf32, #tpu.memory_space<vmem>> -> memref<96x64xf32, #tpu.memory_space<vmem>>
        %get3A_646 = arith.index_cast %add3A_641 : i32 to index
        %get3A_647 = arith.constant 48 : index
        %get3A_648 = tpu.vector_load %get3A_645[%get3A_646, %get3A_647] {strides = array<i32>} : memref<96x64xf32, #tpu.memory_space<vmem>>, vector<1x16xf32>,
        %get3A_649 = vector.shape_cast %get3A_648 : vector<1x16xf32> to vector<16xf32>
        %add3A_650 = arith.addf %add3A_639, %get3A_649 : vector<16xf32>
        scf.yield %add3A_590, %add3A_610, %add3A_630, %add3A_650 : vector<16xf32>, vector<16xf32>, vector<16xf32>, vector<16xf32>
      }
      %scan3A_186 = arith.constant 48 : i32
      %add3A_187 = arith.constant 0 : i32
      %add3A_188 = arith.addi %add3A_130, %add3A_187 : i32
      %add3A_189 = arith.constant 4 : i32
      %add3A_190 = arith.addi %add3A_188, %add3A_189 : i32
      %lt3A_191 = arith.constant 128 : i32
      %lt3A_192 = arith.cmpi slt, %add3A_190, %lt3A_191 : i32
      %convert_element_type3A_193 = arith.extui %lt3A_192 : i1 to i32
      %cond3A_194 = arith.constant 0 : i32
      %cond3A_195 = arith.cmpi ne, %convert_element_type3A_193, %cond3A_194 : i32
      scf.if %cond3A_195 {
        %add3A_565 = arith.constant 0 : i32
        %add3A_566 = arith.addi %add3A_130, %add3A_565 : i32
        %add3A_567 = arith.constant 4 : i32
        %add3A_568 = arith.addi %add3A_566, %add3A_567 : i32
        %dma_start3A_569 = arith.constant 0 : i32
        %dma_start3A_570 = arith.constant 0 : i32
        %dma_start3A_571 = arith.constant 0 : i32
        %dma_start3A_572 = arith.constant 0 : i32
        %dma_start3A_573 = tpu.memref_slice %arg7[%dma_start3A_569, %dma_start3A_571, %dma_start3A_572] : memref<4x96x64xf32, #tpu.memory_space<vmem>> -> memref<1x96x64xf32, #tpu.memory_space<vmem>>
        %dma_start3A_574 = tpu.memref_squeeze %dma_start3A_573 : memref<1x96x64xf32, #tpu.memory_space<vmem>> -> memref<96x64xf32, #tpu.memory_space<vmem>>
        %dma_start3A_575 = arith.constant 104 : i32
        %dma_start3A_576 = tpu.memref_slice %arg5[%add3A_568, %dma_start3A_575] : memref<128x256xi32, #tpu.memory_space<vmem>> -> memref<1x96xi32, #tpu.memory_space<vmem>>
        %dma_start3A_577 = tpu.memref_squeeze %dma_start3A_576 : memref<1x96xi32, #tpu.memory_space<vmem>> -> memref<96xi32, #tpu.memory_space<vmem>>
        %dma_start3A_578 = arith.constant 0 : i32
        %dma_start3A_579 = arith.constant 0 : i32
        %dma_start3A_580 = tpu.memref_slice %arg3[%dma_start3A_578, %dma_start3A_579] : memref<1000000x64xf32, #tpu.memory_space<hbm>> -> memref<1000000x64xf32, #tpu.memory_space<hbm>>
        %dma_start3A_581 = tpu.memref_slice %arg10[%dma_start3A_570] : memref<4x!tpu.dma_semaphore, #tpu.memory_space<semaphore_mem>> -> memref<1x!tpu.dma_semaphore, #tpu.memory_space<semaphore_mem>>
        %dma_start3A_582 = tpu.memref_squeeze %dma_start3A_581 : memref<1x!tpu.dma_semaphore, #tpu.memory_space<semaphore_mem>> -> memref<!tpu.dma_semaphore, #tpu.memory_space<semaphore_mem>>
        tpu.enqueue_indirect_dma source(%dma_start3A_580 : memref<1000000x64xf32, #tpu.memory_space<hbm>>) target(%dma_start3A_574 : memref<96x64xf32, #tpu.memory_space<vmem>>) offsets(%dma_start3A_577 : memref<96xi32, #tpu.memory_space<vmem>>) semaphore(%dma_start3A_582 : memref<!tpu.dma_semaphore, #tpu.memory_space<semaphore_mem>>)
      } else {
      }
      %mul3A_196 = arith.constant 5.000000e-03 : f32
      %mul3A_197 = vector.broadcast %mul3A_196 : f32 to vector<16xf32>
      %mul3A_198 = arith.mulf %scan3A_185#0, %mul3A_197 : vector<16xf32>
      %add3A_199 = arith.constant 0 : i32
      %add3A_200 = arith.addi %add3A_130, %add3A_199 : i32
      %swap3A = arith.index_cast %add3A_200 : i32 to index
      %swap3A_201 = arith.constant 0 : index
      %swap3A_202 = tpu.vector_load %arg8[%swap3A, %swap3A_201] {strides = array<i32>} : memref<128x64xf32, #tpu.memory_space<vmem>>, vector<1x16xf32>,
      %swap3A_203 = vector.shape_cast %swap3A_202 : vector<1x16xf32> to vector<16xf32>
      %swap3A_204 = vector.shape_cast %mul3A_198 : vector<16xf32> to vector<1x16xf32>
      tpu.vector_store %arg8[%swap3A, %swap3A_201], %swap3A_204 {strides = array<i32>} : memref<128x64xf32, #tpu.memory_space<vmem>>, vector<1x16xf32>,
      %mul3A_205 = arith.constant 5.000000e-03 : f32
      %mul3A_206 = vector.broadcast %mul3A_205 : f32 to vector<16xf32>
      %mul3A_207 = arith.mulf %scan3A_185#1, %mul3A_206 : vector<16xf32>
      %add3A_208 = arith.constant 0 : i32
      %add3A_209 = arith.addi %add3A_130, %add3A_208 : i32
      %swap3A_210 = arith.index_cast %add3A_209 : i32 to index
      %swap3A_211 = arith.constant 16 : index
      %swap3A_212 = tpu.vector_load %arg8[%swap3A_210, %swap3A_211] {strides = array<i32>} : memref<128x64xf32, #tpu.memory_space<vmem>>, vector<1x16xf32>,
      %swap3A_213 = vector.shape_cast %swap3A_212 : vector<1x16xf32> to vector<16xf32>
      %swap3A_214 = vector.shape_cast %mul3A_207 : vector<16xf32> to vector<1x16xf32>
      tpu.vector_store %arg8[%swap3A_210, %swap3A_211], %swap3A_214 {strides = array<i32>} : memref<128x64xf32, #tpu.memory_space<vmem>>, vector<1x16xf32>,
      %mul3A_215 = arith.constant 5.000000e-03 : f32
      %mul3A_216 = vector.broadcast %mul3A_215 : f32 to vector<16xf32>
      %mul3A_217 = arith.mulf %scan3A_185#2, %mul3A_216 : vector<16xf32>
      %add3A_218 = arith.constant 0 : i32
      %add3A_219 = arith.addi %add3A_130, %add3A_218 : i32
      %swap3A_220 = arith.index_cast %add3A_219 : i32 to index
      %swap3A_221 = arith.constant 32 : index
      %swap3A_222 = tpu.vector_load %arg8[%swap3A_220, %swap3A_221] {strides = array<i32>} : memref<128x64xf32, #tpu.memory_space<vmem>>, vector<1x16xf32>,
      %swap3A_223 = vector.shape_cast %swap3A_222 : vector<1x16xf32> to vector<16xf32>
      %swap3A_224 = vector.shape_cast %mul3A_217 : vector<16xf32> to vector<1x16xf32>
      tpu.vector_store %arg8[%swap3A_220, %swap3A_221], %swap3A_224 {strides = array<i32>} : memref<128x64xf32, #tpu.memory_space<vmem>>, vector<1x16xf32>,
      %mul3A_225 = arith.constant 5.000000e-03 : f32
      %mul3A_226 = vector.broadcast %mul3A_225 : f32 to vector<16xf32>
      %mul3A_227 = arith.mulf %scan3A_185#3, %mul3A_226 : vector<16xf32>
      %add3A_228 = arith.constant 0 : i32
      %add3A_229 = arith.addi %add3A_130, %add3A_228 : i32
      %swap3A_230 = arith.index_cast %add3A_229 : i32 to index
      %swap3A_231 = arith.constant 48 : index
      %swap3A_232 = tpu.vector_load %arg8[%swap3A_230, %swap3A_231] {strides = array<i32>} : memref<128x64xf32, #tpu.memory_space<vmem>>, vector<1x16xf32>,
      %swap3A_233 = vector.shape_cast %swap3A_232 : vector<1x16xf32> to vector<16xf32>
      %swap3A_234 = vector.shape_cast %mul3A_227 : vector<16xf32> to vector<1x16xf32>
      tpu.vector_store %arg8[%swap3A_230, %swap3A_231], %swap3A_234 {strides = array<i32>} : memref<128x64xf32, #tpu.memory_space<vmem>>, vector<1x16xf32>,
      %broadcast_in_dim3A_235 = arith.constant 0.000000e+00 : f32
      %broadcast_in_dim3A_236 = vector.broadcast %broadcast_in_dim3A_235 : f32 to vector<16xf32>
      %broadcast_in_dim3A_237 = arith.constant 0.000000e+00 : f32
      %broadcast_in_dim3A_238 = vector.broadcast %broadcast_in_dim3A_237 : f32 to vector<16xf32>
      %broadcast_in_dim3A_239 = arith.constant 0.000000e+00 : f32
      %broadcast_in_dim3A_240 = vector.broadcast %broadcast_in_dim3A_239 : f32 to vector<16xf32>
      %broadcast_in_dim3A_241 = arith.constant 0.000000e+00 : f32
      %broadcast_in_dim3A_242 = vector.broadcast %broadcast_in_dim3A_241 : f32 to vector<16xf32>
      %dma_wait3A_243 = arith.constant 0 : i32
      %dma_wait3A_244 = arith.constant 1 : i32
      %dma_wait3A_245 = arith.constant 1 : i32
      %dma_wait3A_246 = arith.constant 0 : i32
      %dma_wait3A_247 = arith.constant 0 : i32
      %dma_wait3A_248 = tpu.memref_slice %arg6[%dma_wait3A_244, %dma_wait3A_246, %dma_wait3A_247] : memref<4x104x64xf32, #tpu.memory_space<vmem>> -> memref<1x104x64xf32, #tpu.memory_space<vmem>>
      %dma_wait3A_249 = tpu.memref_squeeze %dma_wait3A_248 : memref<1x104x64xf32, #tpu.memory_space<vmem>> -> memref<104x64xf32, #tpu.memory_space<vmem>>
      %dma_wait3A_250 = arith.constant 0 : i32
      %dma_wait3A_251 = tpu.memref_slice %arg5[%dma_wait3A_243, %dma_wait3A_250] : memref<128x256xi32, #tpu.memory_space<vmem>> -> memref<1x104xi32, #tpu.memory_space<vmem>>
      %dma_wait3A_252 = tpu.memref_squeeze %dma_wait3A_251 : memref<1x104xi32, #tpu.memory_space<vmem>> -> memref<104xi32, #tpu.memory_space<vmem>>
      %dma_wait3A_253 = arith.constant 0 : i32
      %dma_wait3A_254 = arith.constant 0 : i32
      %dma_wait3A_255 = tpu.memref_slice %arg3[%dma_wait3A_253, %dma_wait3A_254] : memref<1000000x64xf32, #tpu.memory_space<hbm>> -> memref<1000000x64xf32, #tpu.memory_space<hbm>>
      %dma_wait3A_256 = tpu.memref_slice %arg9[%dma_wait3A_245] : memref<4x!tpu.dma_semaphore, #tpu.memory_space<semaphore_mem>> -> memref<1x!tpu.dma_semaphore, #tpu.memory_space<semaphore_mem>>
      %dma_wait3A_257 = tpu.memref_squeeze %dma_wait3A_256 : memref<1x!tpu.dma_semaphore, #tpu.memory_space<semaphore_mem>> -> memref<!tpu.dma_semaphore, #tpu.memory_space<semaphore_mem>>
      tpu.wait_indirect_dma semaphore(%dma_wait3A_257 : memref<!tpu.dma_semaphore, #tpu.memory_space<semaphore_mem>>) src(%dma_wait3A_255 : memref<1000000x64xf32, #tpu.memory_space<hbm>>) dst(%dma_wait3A_249 : memref<104x64xf32, #tpu.memory_space<vmem>>)
      %scan3A_258 = arith.constant 1 : i32
      %scan3A_259 = arith.constant 0 : i32
      %scan3A_260 = arith.constant 52 : i32
      %scan3A_261 = arith.addi %scan3A_259, %scan3A_260 : i32
      %scan3A_262 = arith.constant 1 : i32
      %scan3A_263:4 = scf.for %scan3A_565 = %scan3A_259 to %scan3A_261 step %scan3A_262 iter_args(%scan3A_566 = %broadcast_in_dim3A_236, %scan3A_567 = %broadcast_in_dim3A_238, %scan3A_568 = %broadcast_in_dim3A_240, %scan3A_569 = %broadcast_in_dim3A_242) -> (vector<16xf32>, vector<16xf32>, vector<16xf32>, vector<16xf32>)  : i32 {
        %mul3A_570 = arith.constant 2 : i32
        %mul3A_571 = arith.muli %scan3A_565, %mul3A_570 : i32
        %get3A = arith.constant 0 : i32
        %get3A_572 = arith.constant 0 : i32
        %get3A_573 = tpu.memref_slice %arg6[%scan3A_258, %get3A, %get3A_572] : memref<4x104x64xf32, #tpu.memory_space<vmem>> -> memref<1x104x64xf32, #tpu.memory_space<vmem>>
        %get3A_574 = tpu.memref_squeeze %get3A_573 : memref<1x104x64xf32, #tpu.memory_space<vmem>> -> memref<104x64xf32, #tpu.memory_space<vmem>>
        %get3A_575 = arith.index_cast %mul3A_571 : i32 to index
        %get3A_576 = arith.constant 0 : index
        %get3A_577 = tpu.vector_load %get3A_574[%get3A_575, %get3A_576] {strides = array<i32>} : memref<104x64xf32, #tpu.memory_space<vmem>>, vector<1x16xf32>,
        %get3A_578 = vector.shape_cast %get3A_577 : vector<1x16xf32> to vector<16xf32>
        %add3A_579 = arith.addf %scan3A_566, %get3A_578 : vector<16xf32>
        %add3A_580 = arith.constant 1 : i32
        %add3A_581 = arith.addi %mul3A_571, %add3A_580 : i32
        %get3A_582 = arith.constant 0 : i32
        %get3A_583 = arith.constant 0 : i32
        %get3A_584 = tpu.memref_slice %arg6[%scan3A_258, %get3A_582, %get3A_583] : memref<4x104x64xf32, #tpu.memory_space<vmem>> -> memref<1x104x64xf32, #tpu.memory_space<vmem>>
        %get3A_585 = tpu.memref_squeeze %get3A_584 : memref<1x104x64xf32, #tpu.memory_space<vmem>> -> memref<104x64xf32, #tpu.memory_space<vmem>>
        %get3A_586 = arith.index_cast %add3A_581 : i32 to index
        %get3A_587 = arith.constant 0 : index
        %get3A_588 = tpu.vector_load %get3A_585[%get3A_586, %get3A_587] {strides = array<i32>} : memref<104x64xf32, #tpu.memory_space<vmem>>, vector<1x16xf32>,
        %get3A_589 = vector.shape_cast %get3A_588 : vector<1x16xf32> to vector<16xf32>
        %add3A_590 = arith.addf %add3A_579, %get3A_589 : vector<16xf32>
        %get3A_591 = arith.constant 0 : i32
        %get3A_592 = arith.constant 0 : i32
        %get3A_593 = tpu.memref_slice %arg6[%scan3A_258, %get3A_591, %get3A_592] : memref<4x104x64xf32, #tpu.memory_space<vmem>> -> memref<1x104x64xf32, #tpu.memory_space<vmem>>
        %get3A_594 = tpu.memref_squeeze %get3A_593 : memref<1x104x64xf32, #tpu.memory_space<vmem>> -> memref<104x64xf32, #tpu.memory_space<vmem>>
        %get3A_595 = arith.index_cast %mul3A_571 : i32 to index
        %get3A_596 = arith.constant 16 : index
        %get3A_597 = tpu.vector_load %get3A_594[%get3A_595, %get3A_596] {strides = array<i32>} : memref<104x64xf32, #tpu.memory_space<vmem>>, vector<1x16xf32>,
        %get3A_598 = vector.shape_cast %get3A_597 : vector<1x16xf32> to vector<16xf32>
        %add3A_599 = arith.addf %scan3A_567, %get3A_598 : vector<16xf32>
        %add3A_600 = arith.constant 1 : i32
        %add3A_601 = arith.addi %mul3A_571, %add3A_600 : i32
        %get3A_602 = arith.constant 0 : i32
        %get3A_603 = arith.constant 0 : i32
        %get3A_604 = tpu.memref_slice %arg6[%scan3A_258, %get3A_602, %get3A_603] : memref<4x104x64xf32, #tpu.memory_space<vmem>> -> memref<1x104x64xf32, #tpu.memory_space<vmem>>
        %get3A_605 = tpu.memref_squeeze %get3A_604 : memref<1x104x64xf32, #tpu.memory_space<vmem>> -> memref<104x64xf32, #tpu.memory_space<vmem>>
        %get3A_606 = arith.index_cast %add3A_601 : i32 to index
        %get3A_607 = arith.constant 16 : index
        %get3A_608 = tpu.vector_load %get3A_605[%get3A_606, %get3A_607] {strides = array<i32>} : memref<104x64xf32, #tpu.memory_space<vmem>>, vector<1x16xf32>,
        %get3A_609 = vector.shape_cast %get3A_608 : vector<1x16xf32> to vector<16xf32>
        %add3A_610 = arith.addf %add3A_599, %get3A_609 : vector<16xf32>
        %get3A_611 = arith.constant 0 : i32
        %get3A_612 = arith.constant 0 : i32
        %get3A_613 = tpu.memref_slice %arg6[%scan3A_258, %get3A_611, %get3A_612] : memref<4x104x64xf32, #tpu.memory_space<vmem>> -> memref<1x104x64xf32, #tpu.memory_space<vmem>>
        %get3A_614 = tpu.memref_squeeze %get3A_613 : memref<1x104x64xf32, #tpu.memory_space<vmem>> -> memref<104x64xf32, #tpu.memory_space<vmem>>
        %get3A_615 = arith.index_cast %mul3A_571 : i32 to index
        %get3A_616 = arith.constant 32 : index
        %get3A_617 = tpu.vector_load %get3A_614[%get3A_615, %get3A_616] {strides = array<i32>} : memref<104x64xf32, #tpu.memory_space<vmem>>, vector<1x16xf32>,
        %get3A_618 = vector.shape_cast %get3A_617 : vector<1x16xf32> to vector<16xf32>
        %add3A_619 = arith.addf %scan3A_568, %get3A_618 : vector<16xf32>
        %add3A_620 = arith.constant 1 : i32
        %add3A_621 = arith.addi %mul3A_571, %add3A_620 : i32
        %get3A_622 = arith.constant 0 : i32
        %get3A_623 = arith.constant 0 : i32
        %get3A_624 = tpu.memref_slice %arg6[%scan3A_258, %get3A_622, %get3A_623] : memref<4x104x64xf32, #tpu.memory_space<vmem>> -> memref<1x104x64xf32, #tpu.memory_space<vmem>>
        %get3A_625 = tpu.memref_squeeze %get3A_624 : memref<1x104x64xf32, #tpu.memory_space<vmem>> -> memref<104x64xf32, #tpu.memory_space<vmem>>
        %get3A_626 = arith.index_cast %add3A_621 : i32 to index
        %get3A_627 = arith.constant 32 : index
        %get3A_628 = tpu.vector_load %get3A_625[%get3A_626, %get3A_627] {strides = array<i32>} : memref<104x64xf32, #tpu.memory_space<vmem>>, vector<1x16xf32>,
        %get3A_629 = vector.shape_cast %get3A_628 : vector<1x16xf32> to vector<16xf32>
        %add3A_630 = arith.addf %add3A_619, %get3A_629 : vector<16xf32>
        %get3A_631 = arith.constant 0 : i32
        %get3A_632 = arith.constant 0 : i32
        %get3A_633 = tpu.memref_slice %arg6[%scan3A_258, %get3A_631, %get3A_632] : memref<4x104x64xf32, #tpu.memory_space<vmem>> -> memref<1x104x64xf32, #tpu.memory_space<vmem>>
        %get3A_634 = tpu.memref_squeeze %get3A_633 : memref<1x104x64xf32, #tpu.memory_space<vmem>> -> memref<104x64xf32, #tpu.memory_space<vmem>>
        %get3A_635 = arith.index_cast %mul3A_571 : i32 to index
        %get3A_636 = arith.constant 48 : index
        %get3A_637 = tpu.vector_load %get3A_634[%get3A_635, %get3A_636] {strides = array<i32>} : memref<104x64xf32, #tpu.memory_space<vmem>>, vector<1x16xf32>,
        %get3A_638 = vector.shape_cast %get3A_637 : vector<1x16xf32> to vector<16xf32>
        %add3A_639 = arith.addf %scan3A_569, %get3A_638 : vector<16xf32>
        %add3A_640 = arith.constant 1 : i32
        %add3A_641 = arith.addi %mul3A_571, %add3A_640 : i32
        %get3A_642 = arith.constant 0 : i32
        %get3A_643 = arith.constant 0 : i32
        %get3A_644 = tpu.memref_slice %arg6[%scan3A_258, %get3A_642, %get3A_643] : memref<4x104x64xf32, #tpu.memory_space<vmem>> -> memref<1x104x64xf32, #tpu.memory_space<vmem>>
        %get3A_645 = tpu.memref_squeeze %get3A_644 : memref<1x104x64xf32, #tpu.memory_space<vmem>> -> memref<104x64xf32, #tpu.memory_space<vmem>>
        %get3A_646 = arith.index_cast %add3A_641 : i32 to index
        %get3A_647 = arith.constant 48 : index
        %get3A_648 = tpu.vector_load %get3A_645[%get3A_646, %get3A_647] {strides = array<i32>} : memref<104x64xf32, #tpu.memory_space<vmem>>, vector<1x16xf32>,
        %get3A_649 = vector.shape_cast %get3A_648 : vector<1x16xf32> to vector<16xf32>
        %add3A_650 = arith.addf %add3A_639, %get3A_649 : vector<16xf32>
        scf.yield %add3A_590, %add3A_610, %add3A_630, %add3A_650 : vector<16xf32>, vector<16xf32>, vector<16xf32>, vector<16xf32>
      }
      %scan3A_264 = arith.constant 52 : i32
      %add3A_265 = arith.constant 1 : i32
      %add3A_266 = arith.addi %add3A_130, %add3A_265 : i32
      %add3A_267 = arith.constant 4 : i32
      %add3A_268 = arith.addi %add3A_266, %add3A_267 : i32
      %lt3A_269 = arith.constant 128 : i32
      %lt3A_270 = arith.cmpi slt, %add3A_268, %lt3A_269 : i32
      %convert_element_type3A_271 = arith.extui %lt3A_270 : i1 to i32
      %cond3A_272 = arith.constant 0 : i32
      %cond3A_273 = arith.cmpi ne, %convert_element_type3A_271, %cond3A_272 : i32
      scf.if %cond3A_273 {
        %add3A_565 = arith.constant 1 : i32
        %add3A_566 = arith.addi %add3A_130, %add3A_565 : i32
        %add3A_567 = arith.constant 4 : i32
        %add3A_568 = arith.addi %add3A_566, %add3A_567 : i32
        %dma_start3A_569 = arith.constant 1 : i32
        %dma_start3A_570 = arith.constant 1 : i32
        %dma_start3A_571 = arith.constant 0 : i32
        %dma_start3A_572 = arith.constant 0 : i32
        %dma_start3A_573 = tpu.memref_slice %arg6[%dma_start3A_569, %dma_start3A_571, %dma_start3A_572] : memref<4x104x64xf32, #tpu.memory_space<vmem>> -> memref<1x104x64xf32, #tpu.memory_space<vmem>>
        %dma_start3A_574 = tpu.memref_squeeze %dma_start3A_573 : memref<1x104x64xf32, #tpu.memory_space<vmem>> -> memref<104x64xf32, #tpu.memory_space<vmem>>
        %dma_start3A_575 = arith.constant 0 : i32
        %dma_start3A_576 = tpu.memref_slice %arg5[%add3A_568, %dma_start3A_575] : memref<128x256xi32, #tpu.memory_space<vmem>> -> memref<1x104xi32, #tpu.memory_space<vmem>>
        %dma_start3A_577 = tpu.memref_squeeze %dma_start3A_576 : memref<1x104xi32, #tpu.memory_space<vmem>> -> memref<104xi32, #tpu.memory_space<vmem>>
        %dma_start3A_578 = arith.constant 0 : i32
        %dma_start3A_579 = arith.constant 0 : i32
        %dma_start3A_580 = tpu.memref_slice %arg3[%dma_start3A_578, %dma_start3A_579] : memref<1000000x64xf32, #tpu.memory_space<hbm>> -> memref<1000000x64xf32, #tpu.memory_space<hbm>>
        %dma_start3A_581 = tpu.memref_slice %arg9[%dma_start3A_570] : memref<4x!tpu.dma_semaphore, #tpu.memory_space<semaphore_mem>> -> memref<1x!tpu.dma_semaphore, #tpu.memory_space<semaphore_mem>>
        %dma_start3A_582 = tpu.memref_squeeze %dma_start3A_581 : memref<1x!tpu.dma_semaphore, #tpu.memory_space<semaphore_mem>> -> memref<!tpu.dma_semaphore, #tpu.memory_space<semaphore_mem>>
        tpu.enqueue_indirect_dma source(%dma_start3A_580 : memref<1000000x64xf32, #tpu.memory_space<hbm>>) target(%dma_start3A_574 : memref<104x64xf32, #tpu.memory_space<vmem>>) offsets(%dma_start3A_577 : memref<104xi32, #tpu.memory_space<vmem>>) semaphore(%dma_start3A_582 : memref<!tpu.dma_semaphore, #tpu.memory_space<semaphore_mem>>)
      } else {
      }
      %dma_wait3A_274 = arith.constant 0 : i32
      %dma_wait3A_275 = arith.constant 1 : i32
      %dma_wait3A_276 = arith.constant 1 : i32
      %dma_wait3A_277 = arith.constant 0 : i32
      %dma_wait3A_278 = arith.constant 0 : i32
      %dma_wait3A_279 = tpu.memref_slice %arg7[%dma_wait3A_275, %dma_wait3A_277, %dma_wait3A_278] : memref<4x96x64xf32, #tpu.memory_space<vmem>> -> memref<1x96x64xf32, #tpu.memory_space<vmem>>
      %dma_wait3A_280 = tpu.memref_squeeze %dma_wait3A_279 : memref<1x96x64xf32, #tpu.memory_space<vmem>> -> memref<96x64xf32, #tpu.memory_space<vmem>>
      %dma_wait3A_281 = arith.constant 104 : i32
      %dma_wait3A_282 = tpu.memref_slice %arg5[%dma_wait3A_274, %dma_wait3A_281] : memref<128x256xi32, #tpu.memory_space<vmem>> -> memref<1x96xi32, #tpu.memory_space<vmem>>
      %dma_wait3A_283 = tpu.memref_squeeze %dma_wait3A_282 : memref<1x96xi32, #tpu.memory_space<vmem>> -> memref<96xi32, #tpu.memory_space<vmem>>
      %dma_wait3A_284 = arith.constant 0 : i32
      %dma_wait3A_285 = arith.constant 0 : i32
      %dma_wait3A_286 = tpu.memref_slice %arg3[%dma_wait3A_284, %dma_wait3A_285] : memref<1000000x64xf32, #tpu.memory_space<hbm>> -> memref<1000000x64xf32, #tpu.memory_space<hbm>>
      %dma_wait3A_287 = tpu.memref_slice %arg10[%dma_wait3A_276] : memref<4x!tpu.dma_semaphore, #tpu.memory_space<semaphore_mem>> -> memref<1x!tpu.dma_semaphore, #tpu.memory_space<semaphore_mem>>
      %dma_wait3A_288 = tpu.memref_squeeze %dma_wait3A_287 : memref<1x!tpu.dma_semaphore, #tpu.memory_space<semaphore_mem>> -> memref<!tpu.dma_semaphore, #tpu.memory_space<semaphore_mem>>
      tpu.wait_indirect_dma semaphore(%dma_wait3A_288 : memref<!tpu.dma_semaphore, #tpu.memory_space<semaphore_mem>>) src(%dma_wait3A_286 : memref<1000000x64xf32, #tpu.memory_space<hbm>>) dst(%dma_wait3A_280 : memref<96x64xf32, #tpu.memory_space<vmem>>)
      %scan3A_289 = arith.constant 1 : i32
      %scan3A_290 = arith.constant 0 : i32
      %scan3A_291 = arith.constant 48 : i32
      %scan3A_292 = arith.addi %scan3A_290, %scan3A_291 : i32
      %scan3A_293 = arith.constant 1 : i32
      %scan3A_294:4 = scf.for %scan3A_565 = %scan3A_290 to %scan3A_292 step %scan3A_293 iter_args(%scan3A_566 = %scan3A_263#0, %scan3A_567 = %scan3A_263#1, %scan3A_568 = %scan3A_263#2, %scan3A_569 = %scan3A_263#3) -> (vector<16xf32>, vector<16xf32>, vector<16xf32>, vector<16xf32>)  : i32 {
        %mul3A_570 = arith.constant 2 : i32
        %mul3A_571 = arith.muli %scan3A_565, %mul3A_570 : i32
        %get3A = arith.constant 0 : i32
        %get3A_572 = arith.constant 0 : i32
        %get3A_573 = tpu.memref_slice %arg7[%scan3A_289, %get3A, %get3A_572] : memref<4x96x64xf32, #tpu.memory_space<vmem>> -> memref<1x96x64xf32, #tpu.memory_space<vmem>>
        %get3A_574 = tpu.memref_squeeze %get3A_573 : memref<1x96x64xf32, #tpu.memory_space<vmem>> -> memref<96x64xf32, #tpu.memory_space<vmem>>
        %get3A_575 = arith.index_cast %mul3A_571 : i32 to index
        %get3A_576 = arith.constant 0 : index
        %get3A_577 = tpu.vector_load %get3A_574[%get3A_575, %get3A_576] {strides = array<i32>} : memref<96x64xf32, #tpu.memory_space<vmem>>, vector<1x16xf32>,
        %get3A_578 = vector.shape_cast %get3A_577 : vector<1x16xf32> to vector<16xf32>
        %add3A_579 = arith.addf %scan3A_566, %get3A_578 : vector<16xf32>
        %add3A_580 = arith.constant 1 : i32
        %add3A_581 = arith.addi %mul3A_571, %add3A_580 : i32
        %get3A_582 = arith.constant 0 : i32
        %get3A_583 = arith.constant 0 : i32
        %get3A_584 = tpu.memref_slice %arg7[%scan3A_289, %get3A_582, %get3A_583] : memref<4x96x64xf32, #tpu.memory_space<vmem>> -> memref<1x96x64xf32, #tpu.memory_space<vmem>>
        %get3A_585 = tpu.memref_squeeze %get3A_584 : memref<1x96x64xf32, #tpu.memory_space<vmem>> -> memref<96x64xf32, #tpu.memory_space<vmem>>
        %get3A_586 = arith.index_cast %add3A_581 : i32 to index
        %get3A_587 = arith.constant 0 : index
        %get3A_588 = tpu.vector_load %get3A_585[%get3A_586, %get3A_587] {strides = array<i32>} : memref<96x64xf32, #tpu.memory_space<vmem>>, vector<1x16xf32>,
        %get3A_589 = vector.shape_cast %get3A_588 : vector<1x16xf32> to vector<16xf32>
        %add3A_590 = arith.addf %add3A_579, %get3A_589 : vector<16xf32>
        %get3A_591 = arith.constant 0 : i32
        %get3A_592 = arith.constant 0 : i32
        %get3A_593 = tpu.memref_slice %arg7[%scan3A_289, %get3A_591, %get3A_592] : memref<4x96x64xf32, #tpu.memory_space<vmem>> -> memref<1x96x64xf32, #tpu.memory_space<vmem>>
        %get3A_594 = tpu.memref_squeeze %get3A_593 : memref<1x96x64xf32, #tpu.memory_space<vmem>> -> memref<96x64xf32, #tpu.memory_space<vmem>>
        %get3A_595 = arith.index_cast %mul3A_571 : i32 to index
        %get3A_596 = arith.constant 16 : index
        %get3A_597 = tpu.vector_load %get3A_594[%get3A_595, %get3A_596] {strides = array<i32>} : memref<96x64xf32, #tpu.memory_space<vmem>>, vector<1x16xf32>,
        %get3A_598 = vector.shape_cast %get3A_597 : vector<1x16xf32> to vector<16xf32>
        %add3A_599 = arith.addf %scan3A_567, %get3A_598 : vector<16xf32>
        %add3A_600 = arith.constant 1 : i32
        %add3A_601 = arith.addi %mul3A_571, %add3A_600 : i32
        %get3A_602 = arith.constant 0 : i32
        %get3A_603 = arith.constant 0 : i32
        %get3A_604 = tpu.memref_slice %arg7[%scan3A_289, %get3A_602, %get3A_603] : memref<4x96x64xf32, #tpu.memory_space<vmem>> -> memref<1x96x64xf32, #tpu.memory_space<vmem>>
        %get3A_605 = tpu.memref_squeeze %get3A_604 : memref<1x96x64xf32, #tpu.memory_space<vmem>> -> memref<96x64xf32, #tpu.memory_space<vmem>>
        %get3A_606 = arith.index_cast %add3A_601 : i32 to index
        %get3A_607 = arith.constant 16 : index
        %get3A_608 = tpu.vector_load %get3A_605[%get3A_606, %get3A_607] {strides = array<i32>} : memref<96x64xf32, #tpu.memory_space<vmem>>, vector<1x16xf32>,
        %get3A_609 = vector.shape_cast %get3A_608 : vector<1x16xf32> to vector<16xf32>
        %add3A_610 = arith.addf %add3A_599, %get3A_609 : vector<16xf32>
        %get3A_611 = arith.constant 0 : i32
        %get3A_612 = arith.constant 0 : i32
        %get3A_613 = tpu.memref_slice %arg7[%scan3A_289, %get3A_611, %get3A_612] : memref<4x96x64xf32, #tpu.memory_space<vmem>> -> memref<1x96x64xf32, #tpu.memory_space<vmem>>
        %get3A_614 = tpu.memref_squeeze %get3A_613 : memref<1x96x64xf32, #tpu.memory_space<vmem>> -> memref<96x64xf32, #tpu.memory_space<vmem>>
        %get3A_615 = arith.index_cast %mul3A_571 : i32 to index
        %get3A_616 = arith.constant 32 : index
        %get3A_617 = tpu.vector_load %get3A_614[%get3A_615, %get3A_616] {strides = array<i32>} : memref<96x64xf32, #tpu.memory_space<vmem>>, vector<1x16xf32>,
        %get3A_618 = vector.shape_cast %get3A_617 : vector<1x16xf32> to vector<16xf32>
        %add3A_619 = arith.addf %scan3A_568, %get3A_618 : vector<16xf32>
        %add3A_620 = arith.constant 1 : i32
        %add3A_621 = arith.addi %mul3A_571, %add3A_620 : i32
        %get3A_622 = arith.constant 0 : i32
        %get3A_623 = arith.constant 0 : i32
        %get3A_624 = tpu.memref_slice %arg7[%scan3A_289, %get3A_622, %get3A_623] : memref<4x96x64xf32, #tpu.memory_space<vmem>> -> memref<1x96x64xf32, #tpu.memory_space<vmem>>
        %get3A_625 = tpu.memref_squeeze %get3A_624 : memref<1x96x64xf32, #tpu.memory_space<vmem>> -> memref<96x64xf32, #tpu.memory_space<vmem>>
        %get3A_626 = arith.index_cast %add3A_621 : i32 to index
        %get3A_627 = arith.constant 32 : index
        %get3A_628 = tpu.vector_load %get3A_625[%get3A_626, %get3A_627] {strides = array<i32>} : memref<96x64xf32, #tpu.memory_space<vmem>>, vector<1x16xf32>,
        %get3A_629 = vector.shape_cast %get3A_628 : vector<1x16xf32> to vector<16xf32>
        %add3A_630 = arith.addf %add3A_619, %get3A_629 : vector<16xf32>
        %get3A_631 = arith.constant 0 : i32
        %get3A_632 = arith.constant 0 : i32
        %get3A_633 = tpu.memref_slice %arg7[%scan3A_289, %get3A_631, %get3A_632] : memref<4x96x64xf32, #tpu.memory_space<vmem>> -> memref<1x96x64xf32, #tpu.memory_space<vmem>>
        %get3A_634 = tpu.memref_squeeze %get3A_633 : memref<1x96x64xf32, #tpu.memory_space<vmem>> -> memref<96x64xf32, #tpu.memory_space<vmem>>
        %get3A_635 = arith.index_cast %mul3A_571 : i32 to index
        %get3A_636 = arith.constant 48 : index
        %get3A_637 = tpu.vector_load %get3A_634[%get3A_635, %get3A_636] {strides = array<i32>} : memref<96x64xf32, #tpu.memory_space<vmem>>, vector<1x16xf32>,
        %get3A_638 = vector.shape_cast %get3A_637 : vector<1x16xf32> to vector<16xf32>
        %add3A_639 = arith.addf %scan3A_569, %get3A_638 : vector<16xf32>
        %add3A_640 = arith.constant 1 : i32
        %add3A_641 = arith.addi %mul3A_571, %add3A_640 : i32
        %get3A_642 = arith.constant 0 : i32
        %get3A_643 = arith.constant 0 : i32
        %get3A_644 = tpu.memref_slice %arg7[%scan3A_289, %get3A_642, %get3A_643] : memref<4x96x64xf32, #tpu.memory_space<vmem>> -> memref<1x96x64xf32, #tpu.memory_space<vmem>>
        %get3A_645 = tpu.memref_squeeze %get3A_644 : memref<1x96x64xf32, #tpu.memory_space<vmem>> -> memref<96x64xf32, #tpu.memory_space<vmem>>
        %get3A_646 = arith.index_cast %add3A_641 : i32 to index
        %get3A_647 = arith.constant 48 : index
        %get3A_648 = tpu.vector_load %get3A_645[%get3A_646, %get3A_647] {strides = array<i32>} : memref<96x64xf32, #tpu.memory_space<vmem>>, vector<1x16xf32>,
        %get3A_649 = vector.shape_cast %get3A_648 : vector<1x16xf32> to vector<16xf32>
        %add3A_650 = arith.addf %add3A_639, %get3A_649 : vector<16xf32>
        scf.yield %add3A_590, %add3A_610, %add3A_630, %add3A_650 : vector<16xf32>, vector<16xf32>, vector<16xf32>, vector<16xf32>
      }
      %scan3A_295 = arith.constant 48 : i32
      %add3A_296 = arith.constant 1 : i32
      %add3A_297 = arith.addi %add3A_130, %add3A_296 : i32
      %add3A_298 = arith.constant 4 : i32
      %add3A_299 = arith.addi %add3A_297, %add3A_298 : i32
      %lt3A_300 = arith.constant 128 : i32
      %lt3A_301 = arith.cmpi slt, %add3A_299, %lt3A_300 : i32
      %convert_element_type3A_302 = arith.extui %lt3A_301 : i1 to i32
      %cond3A_303 = arith.constant 0 : i32
      %cond3A_304 = arith.cmpi ne, %convert_element_type3A_302, %cond3A_303 : i32
      scf.if %cond3A_304 {
        %add3A_565 = arith.constant 1 : i32
        %add3A_566 = arith.addi %add3A_130, %add3A_565 : i32
        %add3A_567 = arith.constant 4 : i32
        %add3A_568 = arith.addi %add3A_566, %add3A_567 : i32
        %dma_start3A_569 = arith.constant 1 : i32
        %dma_start3A_570 = arith.constant 1 : i32
        %dma_start3A_571 = arith.constant 0 : i32
        %dma_start3A_572 = arith.constant 0 : i32
        %dma_start3A_573 = tpu.memref_slice %arg7[%dma_start3A_569, %dma_start3A_571, %dma_start3A_572] : memref<4x96x64xf32, #tpu.memory_space<vmem>> -> memref<1x96x64xf32, #tpu.memory_space<vmem>>
        %dma_start3A_574 = tpu.memref_squeeze %dma_start3A_573 : memref<1x96x64xf32, #tpu.memory_space<vmem>> -> memref<96x64xf32, #tpu.memory_space<vmem>>
        %dma_start3A_575 = arith.constant 104 : i32
        %dma_start3A_576 = tpu.memref_slice %arg5[%add3A_568, %dma_start3A_575] : memref<128x256xi32, #tpu.memory_space<vmem>> -> memref<1x96xi32, #tpu.memory_space<vmem>>
        %dma_start3A_577 = tpu.memref_squeeze %dma_start3A_576 : memref<1x96xi32, #tpu.memory_space<vmem>> -> memref<96xi32, #tpu.memory_space<vmem>>
        %dma_start3A_578 = arith.constant 0 : i32
        %dma_start3A_579 = arith.constant 0 : i32
        %dma_start3A_580 = tpu.memref_slice %arg3[%dma_start3A_578, %dma_start3A_579] : memref<1000000x64xf32, #tpu.memory_space<hbm>> -> memref<1000000x64xf32, #tpu.memory_space<hbm>>
        %dma_start3A_581 = tpu.memref_slice %arg10[%dma_start3A_570] : memref<4x!tpu.dma_semaphore, #tpu.memory_space<semaphore_mem>> -> memref<1x!tpu.dma_semaphore, #tpu.memory_space<semaphore_mem>>
        %dma_start3A_582 = tpu.memref_squeeze %dma_start3A_581 : memref<1x!tpu.dma_semaphore, #tpu.memory_space<semaphore_mem>> -> memref<!tpu.dma_semaphore, #tpu.memory_space<semaphore_mem>>
        tpu.enqueue_indirect_dma source(%dma_start3A_580 : memref<1000000x64xf32, #tpu.memory_space<hbm>>) target(%dma_start3A_574 : memref<96x64xf32, #tpu.memory_space<vmem>>) offsets(%dma_start3A_577 : memref<96xi32, #tpu.memory_space<vmem>>) semaphore(%dma_start3A_582 : memref<!tpu.dma_semaphore, #tpu.memory_space<semaphore_mem>>)
      } else {
      }
      %mul3A_305 = arith.constant 5.000000e-03 : f32
      %mul3A_306 = vector.broadcast %mul3A_305 : f32 to vector<16xf32>
      %mul3A_307 = arith.mulf %scan3A_294#0, %mul3A_306 : vector<16xf32>
      %add3A_308 = arith.constant 1 : i32
      %add3A_309 = arith.addi %add3A_130, %add3A_308 : i32
      %swap3A_310 = arith.index_cast %add3A_309 : i32 to index
      %swap3A_311 = arith.constant 0 : index
      %swap3A_312 = tpu.vector_load %arg8[%swap3A_310, %swap3A_311] {strides = array<i32>} : memref<128x64xf32, #tpu.memory_space<vmem>>, vector<1x16xf32>,
      %swap3A_313 = vector.shape_cast %swap3A_312 : vector<1x16xf32> to vector<16xf32>
      %swap3A_314 = vector.shape_cast %mul3A_307 : vector<16xf32> to vector<1x16xf32>
      tpu.vector_store %arg8[%swap3A_310, %swap3A_311], %swap3A_314 {strides = array<i32>} : memref<128x64xf32, #tpu.memory_space<vmem>>, vector<1x16xf32>,
      %mul3A_315 = arith.constant 5.000000e-03 : f32
      %mul3A_316 = vector.broadcast %mul3A_315 : f32 to vector<16xf32>
      %mul3A_317 = arith.mulf %scan3A_294#1, %mul3A_316 : vector<16xf32>
      %add3A_318 = arith.constant 1 : i32
      %add3A_319 = arith.addi %add3A_130, %add3A_318 : i32
      %swap3A_320 = arith.index_cast %add3A_319 : i32 to index
      %swap3A_321 = arith.constant 16 : index
      %swap3A_322 = tpu.vector_load %arg8[%swap3A_320, %swap3A_321] {strides = array<i32>} : memref<128x64xf32, #tpu.memory_space<vmem>>, vector<1x16xf32>,
      %swap3A_323 = vector.shape_cast %swap3A_322 : vector<1x16xf32> to vector<16xf32>
      %swap3A_324 = vector.shape_cast %mul3A_317 : vector<16xf32> to vector<1x16xf32>
      tpu.vector_store %arg8[%swap3A_320, %swap3A_321], %swap3A_324 {strides = array<i32>} : memref<128x64xf32, #tpu.memory_space<vmem>>, vector<1x16xf32>,
      %mul3A_325 = arith.constant 5.000000e-03 : f32
      %mul3A_326 = vector.broadcast %mul3A_325 : f32 to vector<16xf32>
      %mul3A_327 = arith.mulf %scan3A_294#2, %mul3A_326 : vector<16xf32>
      %add3A_328 = arith.constant 1 : i32
      %add3A_329 = arith.addi %add3A_130, %add3A_328 : i32
      %swap3A_330 = arith.index_cast %add3A_329 : i32 to index
      %swap3A_331 = arith.constant 32 : index
      %swap3A_332 = tpu.vector_load %arg8[%swap3A_330, %swap3A_331] {strides = array<i32>} : memref<128x64xf32, #tpu.memory_space<vmem>>, vector<1x16xf32>,
      %swap3A_333 = vector.shape_cast %swap3A_332 : vector<1x16xf32> to vector<16xf32>
      %swap3A_334 = vector.shape_cast %mul3A_327 : vector<16xf32> to vector<1x16xf32>
      tpu.vector_store %arg8[%swap3A_330, %swap3A_331], %swap3A_334 {strides = array<i32>} : memref<128x64xf32, #tpu.memory_space<vmem>>, vector<1x16xf32>,
      %mul3A_335 = arith.constant 5.000000e-03 : f32
      %mul3A_336 = vector.broadcast %mul3A_335 : f32 to vector<16xf32>
      %mul3A_337 = arith.mulf %scan3A_294#3, %mul3A_336 : vector<16xf32>
      %add3A_338 = arith.constant 1 : i32
      %add3A_339 = arith.addi %add3A_130, %add3A_338 : i32
      %swap3A_340 = arith.index_cast %add3A_339 : i32 to index
      %swap3A_341 = arith.constant 48 : index
      %swap3A_342 = tpu.vector_load %arg8[%swap3A_340, %swap3A_341] {strides = array<i32>} : memref<128x64xf32, #tpu.memory_space<vmem>>, vector<1x16xf32>,
      %swap3A_343 = vector.shape_cast %swap3A_342 : vector<1x16xf32> to vector<16xf32>
      %swap3A_344 = vector.shape_cast %mul3A_337 : vector<16xf32> to vector<1x16xf32>
      tpu.vector_store %arg8[%swap3A_340, %swap3A_341], %swap3A_344 {strides = array<i32>} : memref<128x64xf32, #tpu.memory_space<vmem>>, vector<1x16xf32>,
      %broadcast_in_dim3A_345 = arith.constant 0.000000e+00 : f32
      %broadcast_in_dim3A_346 = vector.broadcast %broadcast_in_dim3A_345 : f32 to vector<16xf32>
      %broadcast_in_dim3A_347 = arith.constant 0.000000e+00 : f32
      %broadcast_in_dim3A_348 = vector.broadcast %broadcast_in_dim3A_347 : f32 to vector<16xf32>
      %broadcast_in_dim3A_349 = arith.constant 0.000000e+00 : f32
      %broadcast_in_dim3A_350 = vector.broadcast %broadcast_in_dim3A_349 : f32 to vector<16xf32>
      %broadcast_in_dim3A_351 = arith.constant 0.000000e+00 : f32
      %broadcast_in_dim3A_352 = vector.broadcast %broadcast_in_dim3A_351 : f32 to vector<16xf32>
      %dma_wait3A_353 = arith.constant 0 : i32
      %dma_wait3A_354 = arith.constant 2 : i32
      %dma_wait3A_355 = arith.constant 2 : i32
      %dma_wait3A_356 = arith.constant 0 : i32
      %dma_wait3A_357 = arith.constant 0 : i32
      %dma_wait3A_358 = tpu.memref_slice %arg6[%dma_wait3A_354, %dma_wait3A_356, %dma_wait3A_357] : memref<4x104x64xf32, #tpu.memory_space<vmem>> -> memref<1x104x64xf32, #tpu.memory_space<vmem>>
      %dma_wait3A_359 = tpu.memref_squeeze %dma_wait3A_358 : memref<1x104x64xf32, #tpu.memory_space<vmem>> -> memref<104x64xf32, #tpu.memory_space<vmem>>
      %dma_wait3A_360 = arith.constant 0 : i32
      %dma_wait3A_361 = tpu.memref_slice %arg5[%dma_wait3A_353, %dma_wait3A_360] : memref<128x256xi32, #tpu.memory_space<vmem>> -> memref<1x104xi32, #tpu.memory_space<vmem>>
      %dma_wait3A_362 = tpu.memref_squeeze %dma_wait3A_361 : memref<1x104xi32, #tpu.memory_space<vmem>> -> memref<104xi32, #tpu.memory_space<vmem>>
      %dma_wait3A_363 = arith.constant 0 : i32
      %dma_wait3A_364 = arith.constant 0 : i32
      %dma_wait3A_365 = tpu.memref_slice %arg3[%dma_wait3A_363, %dma_wait3A_364] : memref<1000000x64xf32, #tpu.memory_space<hbm>> -> memref<1000000x64xf32, #tpu.memory_space<hbm>>
      %dma_wait3A_366 = tpu.memref_slice %arg9[%dma_wait3A_355] : memref<4x!tpu.dma_semaphore, #tpu.memory_space<semaphore_mem>> -> memref<1x!tpu.dma_semaphore, #tpu.memory_space<semaphore_mem>>
      %dma_wait3A_367 = tpu.memref_squeeze %dma_wait3A_366 : memref<1x!tpu.dma_semaphore, #tpu.memory_space<semaphore_mem>> -> memref<!tpu.dma_semaphore, #tpu.memory_space<semaphore_mem>>
      tpu.wait_indirect_dma semaphore(%dma_wait3A_367 : memref<!tpu.dma_semaphore, #tpu.memory_space<semaphore_mem>>) src(%dma_wait3A_365 : memref<1000000x64xf32, #tpu.memory_space<hbm>>) dst(%dma_wait3A_359 : memref<104x64xf32, #tpu.memory_space<vmem>>)
      %scan3A_368 = arith.constant 2 : i32
      %scan3A_369 = arith.constant 0 : i32
      %scan3A_370 = arith.constant 52 : i32
      %scan3A_371 = arith.addi %scan3A_369, %scan3A_370 : i32
      %scan3A_372 = arith.constant 1 : i32
      %scan3A_373:4 = scf.for %scan3A_565 = %scan3A_369 to %scan3A_371 step %scan3A_372 iter_args(%scan3A_566 = %broadcast_in_dim3A_346, %scan3A_567 = %broadcast_in_dim3A_348, %scan3A_568 = %broadcast_in_dim3A_350, %scan3A_569 = %broadcast_in_dim3A_352) -> (vector<16xf32>, vector<16xf32>, vector<16xf32>, vector<16xf32>)  : i32 {
        %mul3A_570 = arith.constant 2 : i32
        %mul3A_571 = arith.muli %scan3A_565, %mul3A_570 : i32
        %get3A = arith.constant 0 : i32
        %get3A_572 = arith.constant 0 : i32
        %get3A_573 = tpu.memref_slice %arg6[%scan3A_368, %get3A, %get3A_572] : memref<4x104x64xf32, #tpu.memory_space<vmem>> -> memref<1x104x64xf32, #tpu.memory_space<vmem>>
        %get3A_574 = tpu.memref_squeeze %get3A_573 : memref<1x104x64xf32, #tpu.memory_space<vmem>> -> memref<104x64xf32, #tpu.memory_space<vmem>>
        %get3A_575 = arith.index_cast %mul3A_571 : i32 to index
        %get3A_576 = arith.constant 0 : index
        %get3A_577 = tpu.vector_load %get3A_574[%get3A_575, %get3A_576] {strides = array<i32>} : memref<104x64xf32, #tpu.memory_space<vmem>>, vector<1x16xf32>,
        %get3A_578 = vector.shape_cast %get3A_577 : vector<1x16xf32> to vector<16xf32>
        %add3A_579 = arith.addf %scan3A_566, %get3A_578 : vector<16xf32>
        %add3A_580 = arith.constant 1 : i32
        %add3A_581 = arith.addi %mul3A_571, %add3A_580 : i32
        %get3A_582 = arith.constant 0 : i32
        %get3A_583 = arith.constant 0 : i32
        %get3A_584 = tpu.memref_slice %arg6[%scan3A_368, %get3A_582, %get3A_583] : memref<4x104x64xf32, #tpu.memory_space<vmem>> -> memref<1x104x64xf32, #tpu.memory_space<vmem>>
        %get3A_585 = tpu.memref_squeeze %get3A_584 : memref<1x104x64xf32, #tpu.memory_space<vmem>> -> memref<104x64xf32, #tpu.memory_space<vmem>>
        %get3A_586 = arith.index_cast %add3A_581 : i32 to index
        %get3A_587 = arith.constant 0 : index
        %get3A_588 = tpu.vector_load %get3A_585[%get3A_586, %get3A_587] {strides = array<i32>} : memref<104x64xf32, #tpu.memory_space<vmem>>, vector<1x16xf32>,
        %get3A_589 = vector.shape_cast %get3A_588 : vector<1x16xf32> to vector<16xf32>
        %add3A_590 = arith.addf %add3A_579, %get3A_589 : vector<16xf32>
        %get3A_591 = arith.constant 0 : i32
        %get3A_592 = arith.constant 0 : i32
        %get3A_593 = tpu.memref_slice %arg6[%scan3A_368, %get3A_591, %get3A_592] : memref<4x104x64xf32, #tpu.memory_space<vmem>> -> memref<1x104x64xf32, #tpu.memory_space<vmem>>
        %get3A_594 = tpu.memref_squeeze %get3A_593 : memref<1x104x64xf32, #tpu.memory_space<vmem>> -> memref<104x64xf32, #tpu.memory_space<vmem>>
        %get3A_595 = arith.index_cast %mul3A_571 : i32 to index
        %get3A_596 = arith.constant 16 : index
        %get3A_597 = tpu.vector_load %get3A_594[%get3A_595, %get3A_596] {strides = array<i32>} : memref<104x64xf32, #tpu.memory_space<vmem>>, vector<1x16xf32>,
        %get3A_598 = vector.shape_cast %get3A_597 : vector<1x16xf32> to vector<16xf32>
        %add3A_599 = arith.addf %scan3A_567, %get3A_598 : vector<16xf32>
        %add3A_600 = arith.constant 1 : i32
        %add3A_601 = arith.addi %mul3A_571, %add3A_600 : i32
        %get3A_602 = arith.constant 0 : i32
        %get3A_603 = arith.constant 0 : i32
        %get3A_604 = tpu.memref_slice %arg6[%scan3A_368, %get3A_602, %get3A_603] : memref<4x104x64xf32, #tpu.memory_space<vmem>> -> memref<1x104x64xf32, #tpu.memory_space<vmem>>
        %get3A_605 = tpu.memref_squeeze %get3A_604 : memref<1x104x64xf32, #tpu.memory_space<vmem>> -> memref<104x64xf32, #tpu.memory_space<vmem>>
        %get3A_606 = arith.index_cast %add3A_601 : i32 to index
        %get3A_607 = arith.constant 16 : index
        %get3A_608 = tpu.vector_load %get3A_605[%get3A_606, %get3A_607] {strides = array<i32>} : memref<104x64xf32, #tpu.memory_space<vmem>>, vector<1x16xf32>,
        %get3A_609 = vector.shape_cast %get3A_608 : vector<1x16xf32> to vector<16xf32>
        %add3A_610 = arith.addf %add3A_599, %get3A_609 : vector<16xf32>
        %get3A_611 = arith.constant 0 : i32
        %get3A_612 = arith.constant 0 : i32
        %get3A_613 = tpu.memref_slice %arg6[%scan3A_368, %get3A_611, %get3A_612] : memref<4x104x64xf32, #tpu.memory_space<vmem>> -> memref<1x104x64xf32, #tpu.memory_space<vmem>>
        %get3A_614 = tpu.memref_squeeze %get3A_613 : memref<1x104x64xf32, #tpu.memory_space<vmem>> -> memref<104x64xf32, #tpu.memory_space<vmem>>
        %get3A_615 = arith.index_cast %mul3A_571 : i32 to index
        %get3A_616 = arith.constant 32 : index
        %get3A_617 = tpu.vector_load %get3A_614[%get3A_615, %get3A_616] {strides = array<i32>} : memref<104x64xf32, #tpu.memory_space<vmem>>, vector<1x16xf32>,
        %get3A_618 = vector.shape_cast %get3A_617 : vector<1x16xf32> to vector<16xf32>
        %add3A_619 = arith.addf %scan3A_568, %get3A_618 : vector<16xf32>
        %add3A_620 = arith.constant 1 : i32
        %add3A_621 = arith.addi %mul3A_571, %add3A_620 : i32
        %get3A_622 = arith.constant 0 : i32
        %get3A_623 = arith.constant 0 : i32
        %get3A_624 = tpu.memref_slice %arg6[%scan3A_368, %get3A_622, %get3A_623] : memref<4x104x64xf32, #tpu.memory_space<vmem>> -> memref<1x104x64xf32, #tpu.memory_space<vmem>>
        %get3A_625 = tpu.memref_squeeze %get3A_624 : memref<1x104x64xf32, #tpu.memory_space<vmem>> -> memref<104x64xf32, #tpu.memory_space<vmem>>
        %get3A_626 = arith.index_cast %add3A_621 : i32 to index
        %get3A_627 = arith.constant 32 : index
        %get3A_628 = tpu.vector_load %get3A_625[%get3A_626, %get3A_627] {strides = array<i32>} : memref<104x64xf32, #tpu.memory_space<vmem>>, vector<1x16xf32>,
        %get3A_629 = vector.shape_cast %get3A_628 : vector<1x16xf32> to vector<16xf32>
        %add3A_630 = arith.addf %add3A_619, %get3A_629 : vector<16xf32>
        %get3A_631 = arith.constant 0 : i32
        %get3A_632 = arith.constant 0 : i32
        %get3A_633 = tpu.memref_slice %arg6[%scan3A_368, %get3A_631, %get3A_632] : memref<4x104x64xf32, #tpu.memory_space<vmem>> -> memref<1x104x64xf32, #tpu.memory_space<vmem>>
        %get3A_634 = tpu.memref_squeeze %get3A_633 : memref<1x104x64xf32, #tpu.memory_space<vmem>> -> memref<104x64xf32, #tpu.memory_space<vmem>>
        %get3A_635 = arith.index_cast %mul3A_571 : i32 to index
        %get3A_636 = arith.constant 48 : index
        %get3A_637 = tpu.vector_load %get3A_634[%get3A_635, %get3A_636] {strides = array<i32>} : memref<104x64xf32, #tpu.memory_space<vmem>>, vector<1x16xf32>,
        %get3A_638 = vector.shape_cast %get3A_637 : vector<1x16xf32> to vector<16xf32>
        %add3A_639 = arith.addf %scan3A_569, %get3A_638 : vector<16xf32>
        %add3A_640 = arith.constant 1 : i32
        %add3A_641 = arith.addi %mul3A_571, %add3A_640 : i32
        %get3A_642 = arith.constant 0 : i32
        %get3A_643 = arith.constant 0 : i32
        %get3A_644 = tpu.memref_slice %arg6[%scan3A_368, %get3A_642, %get3A_643] : memref<4x104x64xf32, #tpu.memory_space<vmem>> -> memref<1x104x64xf32, #tpu.memory_space<vmem>>
        %get3A_645 = tpu.memref_squeeze %get3A_644 : memref<1x104x64xf32, #tpu.memory_space<vmem>> -> memref<104x64xf32, #tpu.memory_space<vmem>>
        %get3A_646 = arith.index_cast %add3A_641 : i32 to index
        %get3A_647 = arith.constant 48 : index
        %get3A_648 = tpu.vector_load %get3A_645[%get3A_646, %get3A_647] {strides = array<i32>} : memref<104x64xf32, #tpu.memory_space<vmem>>, vector<1x16xf32>,
        %get3A_649 = vector.shape_cast %get3A_648 : vector<1x16xf32> to vector<16xf32>
        %add3A_650 = arith.addf %add3A_639, %get3A_649 : vector<16xf32>
        scf.yield %add3A_590, %add3A_610, %add3A_630, %add3A_650 : vector<16xf32>, vector<16xf32>, vector<16xf32>, vector<16xf32>
      }
      %scan3A_374 = arith.constant 52 : i32
      %add3A_375 = arith.constant 2 : i32
      %add3A_376 = arith.addi %add3A_130, %add3A_375 : i32
      %add3A_377 = arith.constant 4 : i32
      %add3A_378 = arith.addi %add3A_376, %add3A_377 : i32
      %lt3A_379 = arith.constant 128 : i32
      %lt3A_380 = arith.cmpi slt, %add3A_378, %lt3A_379 : i32
      %convert_element_type3A_381 = arith.extui %lt3A_380 : i1 to i32
      %cond3A_382 = arith.constant 0 : i32
      %cond3A_383 = arith.cmpi ne, %convert_element_type3A_381, %cond3A_382 : i32
      scf.if %cond3A_383 {
        %add3A_565 = arith.constant 2 : i32
        %add3A_566 = arith.addi %add3A_130, %add3A_565 : i32
        %add3A_567 = arith.constant 4 : i32
        %add3A_568 = arith.addi %add3A_566, %add3A_567 : i32
        %dma_start3A_569 = arith.constant 2 : i32
        %dma_start3A_570 = arith.constant 2 : i32
        %dma_start3A_571 = arith.constant 0 : i32
        %dma_start3A_572 = arith.constant 0 : i32
        %dma_start3A_573 = tpu.memref_slice %arg6[%dma_start3A_569, %dma_start3A_571, %dma_start3A_572] : memref<4x104x64xf32, #tpu.memory_space<vmem>> -> memref<1x104x64xf32, #tpu.memory_space<vmem>>
        %dma_start3A_574 = tpu.memref_squeeze %dma_start3A_573 : memref<1x104x64xf32, #tpu.memory_space<vmem>> -> memref<104x64xf32, #tpu.memory_space<vmem>>
        %dma_start3A_575 = arith.constant 0 : i32
        %dma_start3A_576 = tpu.memref_slice %arg5[%add3A_568, %dma_start3A_575] : memref<128x256xi32, #tpu.memory_space<vmem>> -> memref<1x104xi32, #tpu.memory_space<vmem>>
        %dma_start3A_577 = tpu.memref_squeeze %dma_start3A_576 : memref<1x104xi32, #tpu.memory_space<vmem>> -> memref<104xi32, #tpu.memory_space<vmem>>
        %dma_start3A_578 = arith.constant 0 : i32
        %dma_start3A_579 = arith.constant 0 : i32
        %dma_start3A_580 = tpu.memref_slice %arg3[%dma_start3A_578, %dma_start3A_579] : memref<1000000x64xf32, #tpu.memory_space<hbm>> -> memref<1000000x64xf32, #tpu.memory_space<hbm>>
        %dma_start3A_581 = tpu.memref_slice %arg9[%dma_start3A_570] : memref<4x!tpu.dma_semaphore, #tpu.memory_space<semaphore_mem>> -> memref<1x!tpu.dma_semaphore, #tpu.memory_space<semaphore_mem>>
        %dma_start3A_582 = tpu.memref_squeeze %dma_start3A_581 : memref<1x!tpu.dma_semaphore, #tpu.memory_space<semaphore_mem>> -> memref<!tpu.dma_semaphore, #tpu.memory_space<semaphore_mem>>
        tpu.enqueue_indirect_dma source(%dma_start3A_580 : memref<1000000x64xf32, #tpu.memory_space<hbm>>) target(%dma_start3A_574 : memref<104x64xf32, #tpu.memory_space<vmem>>) offsets(%dma_start3A_577 : memref<104xi32, #tpu.memory_space<vmem>>) semaphore(%dma_start3A_582 : memref<!tpu.dma_semaphore, #tpu.memory_space<semaphore_mem>>)
      } else {
      }
      %dma_wait3A_384 = arith.constant 0 : i32
      %dma_wait3A_385 = arith.constant 2 : i32
      %dma_wait3A_386 = arith.constant 2 : i32
      %dma_wait3A_387 = arith.constant 0 : i32
      %dma_wait3A_388 = arith.constant 0 : i32
      %dma_wait3A_389 = tpu.memref_slice %arg7[%dma_wait3A_385, %dma_wait3A_387, %dma_wait3A_388] : memref<4x96x64xf32, #tpu.memory_space<vmem>> -> memref<1x96x64xf32, #tpu.memory_space<vmem>>
      %dma_wait3A_390 = tpu.memref_squeeze %dma_wait3A_389 : memref<1x96x64xf32, #tpu.memory_space<vmem>> -> memref<96x64xf32, #tpu.memory_space<vmem>>
      %dma_wait3A_391 = arith.constant 104 : i32
      %dma_wait3A_392 = tpu.memref_slice %arg5[%dma_wait3A_384, %dma_wait3A_391] : memref<128x256xi32, #tpu.memory_space<vmem>> -> memref<1x96xi32, #tpu.memory_space<vmem>>
      %dma_wait3A_393 = tpu.memref_squeeze %dma_wait3A_392 : memref<1x96xi32, #tpu.memory_space<vmem>> -> memref<96xi32, #tpu.memory_space<vmem>>
      %dma_wait3A_394 = arith.constant 0 : i32
      %dma_wait3A_395 = arith.constant 0 : i32
      %dma_wait3A_396 = tpu.memref_slice %arg3[%dma_wait3A_394, %dma_wait3A_395] : memref<1000000x64xf32, #tpu.memory_space<hbm>> -> memref<1000000x64xf32, #tpu.memory_space<hbm>>
      %dma_wait3A_397 = tpu.memref_slice %arg10[%dma_wait3A_386] : memref<4x!tpu.dma_semaphore, #tpu.memory_space<semaphore_mem>> -> memref<1x!tpu.dma_semaphore, #tpu.memory_space<semaphore_mem>>
      %dma_wait3A_398 = tpu.memref_squeeze %dma_wait3A_397 : memref<1x!tpu.dma_semaphore, #tpu.memory_space<semaphore_mem>> -> memref<!tpu.dma_semaphore, #tpu.memory_space<semaphore_mem>>
      tpu.wait_indirect_dma semaphore(%dma_wait3A_398 : memref<!tpu.dma_semaphore, #tpu.memory_space<semaphore_mem>>) src(%dma_wait3A_396 : memref<1000000x64xf32, #tpu.memory_space<hbm>>) dst(%dma_wait3A_390 : memref<96x64xf32, #tpu.memory_space<vmem>>)
      %scan3A_399 = arith.constant 2 : i32
      %scan3A_400 = arith.constant 0 : i32
      %scan3A_401 = arith.constant 48 : i32
      %scan3A_402 = arith.addi %scan3A_400, %scan3A_401 : i32
      %scan3A_403 = arith.constant 1 : i32
      %scan3A_404:4 = scf.for %scan3A_565 = %scan3A_400 to %scan3A_402 step %scan3A_403 iter_args(%scan3A_566 = %scan3A_373#0, %scan3A_567 = %scan3A_373#1, %scan3A_568 = %scan3A_373#2, %scan3A_569 = %scan3A_373#3) -> (vector<16xf32>, vector<16xf32>, vector<16xf32>, vector<16xf32>)  : i32 {
        %mul3A_570 = arith.constant 2 : i32
        %mul3A_571 = arith.muli %scan3A_565, %mul3A_570 : i32
        %get3A = arith.constant 0 : i32
        %get3A_572 = arith.constant 0 : i32
        %get3A_573 = tpu.memref_slice %arg7[%scan3A_399, %get3A, %get3A_572] : memref<4x96x64xf32, #tpu.memory_space<vmem>> -> memref<1x96x64xf32, #tpu.memory_space<vmem>>
        %get3A_574 = tpu.memref_squeeze %get3A_573 : memref<1x96x64xf32, #tpu.memory_space<vmem>> -> memref<96x64xf32, #tpu.memory_space<vmem>>
        %get3A_575 = arith.index_cast %mul3A_571 : i32 to index
        %get3A_576 = arith.constant 0 : index
        %get3A_577 = tpu.vector_load %get3A_574[%get3A_575, %get3A_576] {strides = array<i32>} : memref<96x64xf32, #tpu.memory_space<vmem>>, vector<1x16xf32>,
        %get3A_578 = vector.shape_cast %get3A_577 : vector<1x16xf32> to vector<16xf32>
        %add3A_579 = arith.addf %scan3A_566, %get3A_578 : vector<16xf32>
        %add3A_580 = arith.constant 1 : i32
        %add3A_581 = arith.addi %mul3A_571, %add3A_580 : i32
        %get3A_582 = arith.constant 0 : i32
        %get3A_583 = arith.constant 0 : i32
        %get3A_584 = tpu.memref_slice %arg7[%scan3A_399, %get3A_582, %get3A_583] : memref<4x96x64xf32, #tpu.memory_space<vmem>> -> memref<1x96x64xf32, #tpu.memory_space<vmem>>
        %get3A_585 = tpu.memref_squeeze %get3A_584 : memref<1x96x64xf32, #tpu.memory_space<vmem>> -> memref<96x64xf32, #tpu.memory_space<vmem>>
        %get3A_586 = arith.index_cast %add3A_581 : i32 to index
        %get3A_587 = arith.constant 0 : index
        %get3A_588 = tpu.vector_load %get3A_585[%get3A_586, %get3A_587] {strides = array<i32>} : memref<96x64xf32, #tpu.memory_space<vmem>>, vector<1x16xf32>,
        %get3A_589 = vector.shape_cast %get3A_588 : vector<1x16xf32> to vector<16xf32>
        %add3A_590 = arith.addf %add3A_579, %get3A_589 : vector<16xf32>
        %get3A_591 = arith.constant 0 : i32
        %get3A_592 = arith.constant 0 : i32
        %get3A_593 = tpu.memref_slice %arg7[%scan3A_399, %get3A_591, %get3A_592] : memref<4x96x64xf32, #tpu.memory_space<vmem>> -> memref<1x96x64xf32, #tpu.memory_space<vmem>>
        %get3A_594 = tpu.memref_squeeze %get3A_593 : memref<1x96x64xf32, #tpu.memory_space<vmem>> -> memref<96x64xf32, #tpu.memory_space<vmem>>
        %get3A_595 = arith.index_cast %mul3A_571 : i32 to index
        %get3A_596 = arith.constant 16 : index
        %get3A_597 = tpu.vector_load %get3A_594[%get3A_595, %get3A_596] {strides = array<i32>} : memref<96x64xf32, #tpu.memory_space<vmem>>, vector<1x16xf32>,
        %get3A_598 = vector.shape_cast %get3A_597 : vector<1x16xf32> to vector<16xf32>
        %add3A_599 = arith.addf %scan3A_567, %get3A_598 : vector<16xf32>
        %add3A_600 = arith.constant 1 : i32
        %add3A_601 = arith.addi %mul3A_571, %add3A_600 : i32
        %get3A_602 = arith.constant 0 : i32
        %get3A_603 = arith.constant 0 : i32
        %get3A_604 = tpu.memref_slice %arg7[%scan3A_399, %get3A_602, %get3A_603] : memref<4x96x64xf32, #tpu.memory_space<vmem>> -> memref<1x96x64xf32, #tpu.memory_space<vmem>>
        %get3A_605 = tpu.memref_squeeze %get3A_604 : memref<1x96x64xf32, #tpu.memory_space<vmem>> -> memref<96x64xf32, #tpu.memory_space<vmem>>
        %get3A_606 = arith.index_cast %add3A_601 : i32 to index
        %get3A_607 = arith.constant 16 : index
        %get3A_608 = tpu.vector_load %get3A_605[%get3A_606, %get3A_607] {strides = array<i32>} : memref<96x64xf32, #tpu.memory_space<vmem>>, vector<1x16xf32>,
        %get3A_609 = vector.shape_cast %get3A_608 : vector<1x16xf32> to vector<16xf32>
        %add3A_610 = arith.addf %add3A_599, %get3A_609 : vector<16xf32>
        %get3A_611 = arith.constant 0 : i32
        %get3A_612 = arith.constant 0 : i32
        %get3A_613 = tpu.memref_slice %arg7[%scan3A_399, %get3A_611, %get3A_612] : memref<4x96x64xf32, #tpu.memory_space<vmem>> -> memref<1x96x64xf32, #tpu.memory_space<vmem>>
        %get3A_614 = tpu.memref_squeeze %get3A_613 : memref<1x96x64xf32, #tpu.memory_space<vmem>> -> memref<96x64xf32, #tpu.memory_space<vmem>>
        %get3A_615 = arith.index_cast %mul3A_571 : i32 to index
        %get3A_616 = arith.constant 32 : index
        %get3A_617 = tpu.vector_load %get3A_614[%get3A_615, %get3A_616] {strides = array<i32>} : memref<96x64xf32, #tpu.memory_space<vmem>>, vector<1x16xf32>,
        %get3A_618 = vector.shape_cast %get3A_617 : vector<1x16xf32> to vector<16xf32>
        %add3A_619 = arith.addf %scan3A_568, %get3A_618 : vector<16xf32>
        %add3A_620 = arith.constant 1 : i32
        %add3A_621 = arith.addi %mul3A_571, %add3A_620 : i32
        %get3A_622 = arith.constant 0 : i32
        %get3A_623 = arith.constant 0 : i32
        %get3A_624 = tpu.memref_slice %arg7[%scan3A_399, %get3A_622, %get3A_623] : memref<4x96x64xf32, #tpu.memory_space<vmem>> -> memref<1x96x64xf32, #tpu.memory_space<vmem>>
        %get3A_625 = tpu.memref_squeeze %get3A_624 : memref<1x96x64xf32, #tpu.memory_space<vmem>> -> memref<96x64xf32, #tpu.memory_space<vmem>>
        %get3A_626 = arith.index_cast %add3A_621 : i32 to index
        %get3A_627 = arith.constant 32 : index
        %get3A_628 = tpu.vector_load %get3A_625[%get3A_626, %get3A_627] {strides = array<i32>} : memref<96x64xf32, #tpu.memory_space<vmem>>, vector<1x16xf32>,
        %get3A_629 = vector.shape_cast %get3A_628 : vector<1x16xf32> to vector<16xf32>
        %add3A_630 = arith.addf %add3A_619, %get3A_629 : vector<16xf32>
        %get3A_631 = arith.constant 0 : i32
        %get3A_632 = arith.constant 0 : i32
        %get3A_633 = tpu.memref_slice %arg7[%scan3A_399, %get3A_631, %get3A_632] : memref<4x96x64xf32, #tpu.memory_space<vmem>> -> memref<1x96x64xf32, #tpu.memory_space<vmem>>
        %get3A_634 = tpu.memref_squeeze %get3A_633 : memref<1x96x64xf32, #tpu.memory_space<vmem>> -> memref<96x64xf32, #tpu.memory_space<vmem>>
        %get3A_635 = arith.index_cast %mul3A_571 : i32 to index
        %get3A_636 = arith.constant 48 : index
        %get3A_637 = tpu.vector_load %get3A_634[%get3A_635, %get3A_636] {strides = array<i32>} : memref<96x64xf32, #tpu.memory_space<vmem>>, vector<1x16xf32>,
        %get3A_638 = vector.shape_cast %get3A_637 : vector<1x16xf32> to vector<16xf32>
        %add3A_639 = arith.addf %scan3A_569, %get3A_638 : vector<16xf32>
        %add3A_640 = arith.constant 1 : i32
        %add3A_641 = arith.addi %mul3A_571, %add3A_640 : i32
        %get3A_642 = arith.constant 0 : i32
        %get3A_643 = arith.constant 0 : i32
        %get3A_644 = tpu.memref_slice %arg7[%scan3A_399, %get3A_642, %get3A_643] : memref<4x96x64xf32, #tpu.memory_space<vmem>> -> memref<1x96x64xf32, #tpu.memory_space<vmem>>
        %get3A_645 = tpu.memref_squeeze %get3A_644 : memref<1x96x64xf32, #tpu.memory_space<vmem>> -> memref<96x64xf32, #tpu.memory_space<vmem>>
        %get3A_646 = arith.index_cast %add3A_641 : i32 to index
        %get3A_647 = arith.constant 48 : index
        %get3A_648 = tpu.vector_load %get3A_645[%get3A_646, %get3A_647] {strides = array<i32>} : memref<96x64xf32, #tpu.memory_space<vmem>>, vector<1x16xf32>,
        %get3A_649 = vector.shape_cast %get3A_648 : vector<1x16xf32> to vector<16xf32>
        %add3A_650 = arith.addf %add3A_639, %get3A_649 : vector<16xf32>
        scf.yield %add3A_590, %add3A_610, %add3A_630, %add3A_650 : vector<16xf32>, vector<16xf32>, vector<16xf32>, vector<16xf32>
      }
      %scan3A_405 = arith.constant 48 : i32
      %add3A_406 = arith.constant 2 : i32
      %add3A_407 = arith.addi %add3A_130, %add3A_406 : i32
      %add3A_408 = arith.constant 4 : i32
      %add3A_409 = arith.addi %add3A_407, %add3A_408 : i32
      %lt3A_410 = arith.constant 128 : i32
      %lt3A_411 = arith.cmpi slt, %add3A_409, %lt3A_410 : i32
      %convert_element_type3A_412 = arith.extui %lt3A_411 : i1 to i32
      %cond3A_413 = arith.constant 0 : i32
      %cond3A_414 = arith.cmpi ne, %convert_element_type3A_412, %cond3A_413 : i32
      scf.if %cond3A_414 {
        %add3A_565 = arith.constant 2 : i32
        %add3A_566 = arith.addi %add3A_130, %add3A_565 : i32
        %add3A_567 = arith.constant 4 : i32
        %add3A_568 = arith.addi %add3A_566, %add3A_567 : i32
        %dma_start3A_569 = arith.constant 2 : i32
        %dma_start3A_570 = arith.constant 2 : i32
        %dma_start3A_571 = arith.constant 0 : i32
        %dma_start3A_572 = arith.constant 0 : i32
        %dma_start3A_573 = tpu.memref_slice %arg7[%dma_start3A_569, %dma_start3A_571, %dma_start3A_572] : memref<4x96x64xf32, #tpu.memory_space<vmem>> -> memref<1x96x64xf32, #tpu.memory_space<vmem>>
        %dma_start3A_574 = tpu.memref_squeeze %dma_start3A_573 : memref<1x96x64xf32, #tpu.memory_space<vmem>> -> memref<96x64xf32, #tpu.memory_space<vmem>>
        %dma_start3A_575 = arith.constant 104 : i32
        %dma_start3A_576 = tpu.memref_slice %arg5[%add3A_568, %dma_start3A_575] : memref<128x256xi32, #tpu.memory_space<vmem>> -> memref<1x96xi32, #tpu.memory_space<vmem>>
        %dma_start3A_577 = tpu.memref_squeeze %dma_start3A_576 : memref<1x96xi32, #tpu.memory_space<vmem>> -> memref<96xi32, #tpu.memory_space<vmem>>
        %dma_start3A_578 = arith.constant 0 : i32
        %dma_start3A_579 = arith.constant 0 : i32
        %dma_start3A_580 = tpu.memref_slice %arg3[%dma_start3A_578, %dma_start3A_579] : memref<1000000x64xf32, #tpu.memory_space<hbm>> -> memref<1000000x64xf32, #tpu.memory_space<hbm>>
        %dma_start3A_581 = tpu.memref_slice %arg10[%dma_start3A_570] : memref<4x!tpu.dma_semaphore, #tpu.memory_space<semaphore_mem>> -> memref<1x!tpu.dma_semaphore, #tpu.memory_space<semaphore_mem>>
        %dma_start3A_582 = tpu.memref_squeeze %dma_start3A_581 : memref<1x!tpu.dma_semaphore, #tpu.memory_space<semaphore_mem>> -> memref<!tpu.dma_semaphore, #tpu.memory_space<semaphore_mem>>
        tpu.enqueue_indirect_dma source(%dma_start3A_580 : memref<1000000x64xf32, #tpu.memory_space<hbm>>) target(%dma_start3A_574 : memref<96x64xf32, #tpu.memory_space<vmem>>) offsets(%dma_start3A_577 : memref<96xi32, #tpu.memory_space<vmem>>) semaphore(%dma_start3A_582 : memref<!tpu.dma_semaphore, #tpu.memory_space<semaphore_mem>>)
      } else {
      }
      %mul3A_415 = arith.constant 5.000000e-03 : f32
      %mul3A_416 = vector.broadcast %mul3A_415 : f32 to vector<16xf32>
      %mul3A_417 = arith.mulf %scan3A_404#0, %mul3A_416 : vector<16xf32>
      %add3A_418 = arith.constant 2 : i32
      %add3A_419 = arith.addi %add3A_130, %add3A_418 : i32
      %swap3A_420 = arith.index_cast %add3A_419 : i32 to index
      %swap3A_421 = arith.constant 0 : index
      %swap3A_422 = tpu.vector_load %arg8[%swap3A_420, %swap3A_421] {strides = array<i32>} : memref<128x64xf32, #tpu.memory_space<vmem>>, vector<1x16xf32>,
      %swap3A_423 = vector.shape_cast %swap3A_422 : vector<1x16xf32> to vector<16xf32>
      %swap3A_424 = vector.shape_cast %mul3A_417 : vector<16xf32> to vector<1x16xf32>
      tpu.vector_store %arg8[%swap3A_420, %swap3A_421], %swap3A_424 {strides = array<i32>} : memref<128x64xf32, #tpu.memory_space<vmem>>, vector<1x16xf32>,
      %mul3A_425 = arith.constant 5.000000e-03 : f32
      %mul3A_426 = vector.broadcast %mul3A_425 : f32 to vector<16xf32>
      %mul3A_427 = arith.mulf %scan3A_404#1, %mul3A_426 : vector<16xf32>
      %add3A_428 = arith.constant 2 : i32
      %add3A_429 = arith.addi %add3A_130, %add3A_428 : i32
      %swap3A_430 = arith.index_cast %add3A_429 : i32 to index
      %swap3A_431 = arith.constant 16 : index
      %swap3A_432 = tpu.vector_load %arg8[%swap3A_430, %swap3A_431] {strides = array<i32>} : memref<128x64xf32, #tpu.memory_space<vmem>>, vector<1x16xf32>,
      %swap3A_433 = vector.shape_cast %swap3A_432 : vector<1x16xf32> to vector<16xf32>
      %swap3A_434 = vector.shape_cast %mul3A_427 : vector<16xf32> to vector<1x16xf32>
      tpu.vector_store %arg8[%swap3A_430, %swap3A_431], %swap3A_434 {strides = array<i32>} : memref<128x64xf32, #tpu.memory_space<vmem>>, vector<1x16xf32>,
      %mul3A_435 = arith.constant 5.000000e-03 : f32
      %mul3A_436 = vector.broadcast %mul3A_435 : f32 to vector<16xf32>
      %mul3A_437 = arith.mulf %scan3A_404#2, %mul3A_436 : vector<16xf32>
      %add3A_438 = arith.constant 2 : i32
      %add3A_439 = arith.addi %add3A_130, %add3A_438 : i32
      %swap3A_440 = arith.index_cast %add3A_439 : i32 to index
      %swap3A_441 = arith.constant 32 : index
      %swap3A_442 = tpu.vector_load %arg8[%swap3A_440, %swap3A_441] {strides = array<i32>} : memref<128x64xf32, #tpu.memory_space<vmem>>, vector<1x16xf32>,
      %swap3A_443 = vector.shape_cast %swap3A_442 : vector<1x16xf32> to vector<16xf32>
      %swap3A_444 = vector.shape_cast %mul3A_437 : vector<16xf32> to vector<1x16xf32>
      tpu.vector_store %arg8[%swap3A_440, %swap3A_441], %swap3A_444 {strides = array<i32>} : memref<128x64xf32, #tpu.memory_space<vmem>>, vector<1x16xf32>,
      %mul3A_445 = arith.constant 5.000000e-03 : f32
      %mul3A_446 = vector.broadcast %mul3A_445 : f32 to vector<16xf32>
      %mul3A_447 = arith.mulf %scan3A_404#3, %mul3A_446 : vector<16xf32>
      %add3A_448 = arith.constant 2 : i32
      %add3A_449 = arith.addi %add3A_130, %add3A_448 : i32
      %swap3A_450 = arith.index_cast %add3A_449 : i32 to index
      %swap3A_451 = arith.constant 48 : index
      %swap3A_452 = tpu.vector_load %arg8[%swap3A_450, %swap3A_451] {strides = array<i32>} : memref<128x64xf32, #tpu.memory_space<vmem>>, vector<1x16xf32>,
      %swap3A_453 = vector.shape_cast %swap3A_452 : vector<1x16xf32> to vector<16xf32>
      %swap3A_454 = vector.shape_cast %mul3A_447 : vector<16xf32> to vector<1x16xf32>
      tpu.vector_store %arg8[%swap3A_450, %swap3A_451], %swap3A_454 {strides = array<i32>} : memref<128x64xf32, #tpu.memory_space<vmem>>, vector<1x16xf32>,
      %broadcast_in_dim3A_455 = arith.constant 0.000000e+00 : f32
      %broadcast_in_dim3A_456 = vector.broadcast %broadcast_in_dim3A_455 : f32 to vector<16xf32>
      %broadcast_in_dim3A_457 = arith.constant 0.000000e+00 : f32
      %broadcast_in_dim3A_458 = vector.broadcast %broadcast_in_dim3A_457 : f32 to vector<16xf32>
      %broadcast_in_dim3A_459 = arith.constant 0.000000e+00 : f32
      %broadcast_in_dim3A_460 = vector.broadcast %broadcast_in_dim3A_459 : f32 to vector<16xf32>
      %broadcast_in_dim3A_461 = arith.constant 0.000000e+00 : f32
      %broadcast_in_dim3A_462 = vector.broadcast %broadcast_in_dim3A_461 : f32 to vector<16xf32>
      %dma_wait3A_463 = arith.constant 0 : i32
      %dma_wait3A_464 = arith.constant 3 : i32
      %dma_wait3A_465 = arith.constant 3 : i32
      %dma_wait3A_466 = arith.constant 0 : i32
      %dma_wait3A_467 = arith.constant 0 : i32
      %dma_wait3A_468 = tpu.memref_slice %arg6[%dma_wait3A_464, %dma_wait3A_466, %dma_wait3A_467] : memref<4x104x64xf32, #tpu.memory_space<vmem>> -> memref<1x104x64xf32, #tpu.memory_space<vmem>>
      %dma_wait3A_469 = tpu.memref_squeeze %dma_wait3A_468 : memref<1x104x64xf32, #tpu.memory_space<vmem>> -> memref<104x64xf32, #tpu.memory_space<vmem>>
      %dma_wait3A_470 = arith.constant 0 : i32
      %dma_wait3A_471 = tpu.memref_slice %arg5[%dma_wait3A_463, %dma_wait3A_470] : memref<128x256xi32, #tpu.memory_space<vmem>> -> memref<1x104xi32, #tpu.memory_space<vmem>>
      %dma_wait3A_472 = tpu.memref_squeeze %dma_wait3A_471 : memref<1x104xi32, #tpu.memory_space<vmem>> -> memref<104xi32, #tpu.memory_space<vmem>>
      %dma_wait3A_473 = arith.constant 0 : i32
      %dma_wait3A_474 = arith.constant 0 : i32
      %dma_wait3A_475 = tpu.memref_slice %arg3[%dma_wait3A_473, %dma_wait3A_474] : memref<1000000x64xf32, #tpu.memory_space<hbm>> -> memref<1000000x64xf32, #tpu.memory_space<hbm>>
      %dma_wait3A_476 = tpu.memref_slice %arg9[%dma_wait3A_465] : memref<4x!tpu.dma_semaphore, #tpu.memory_space<semaphore_mem>> -> memref<1x!tpu.dma_semaphore, #tpu.memory_space<semaphore_mem>>
      %dma_wait3A_477 = tpu.memref_squeeze %dma_wait3A_476 : memref<1x!tpu.dma_semaphore, #tpu.memory_space<semaphore_mem>> -> memref<!tpu.dma_semaphore, #tpu.memory_space<semaphore_mem>>
      tpu.wait_indirect_dma semaphore(%dma_wait3A_477 : memref<!tpu.dma_semaphore, #tpu.memory_space<semaphore_mem>>) src(%dma_wait3A_475 : memref<1000000x64xf32, #tpu.memory_space<hbm>>) dst(%dma_wait3A_469 : memref<104x64xf32, #tpu.memory_space<vmem>>)
      %scan3A_478 = arith.constant 3 : i32
      %scan3A_479 = arith.constant 0 : i32
      %scan3A_480 = arith.constant 52 : i32
      %scan3A_481 = arith.addi %scan3A_479, %scan3A_480 : i32
      %scan3A_482 = arith.constant 1 : i32
      %scan3A_483:4 = scf.for %scan3A_565 = %scan3A_479 to %scan3A_481 step %scan3A_482 iter_args(%scan3A_566 = %broadcast_in_dim3A_456, %scan3A_567 = %broadcast_in_dim3A_458, %scan3A_568 = %broadcast_in_dim3A_460, %scan3A_569 = %broadcast_in_dim3A_462) -> (vector<16xf32>, vector<16xf32>, vector<16xf32>, vector<16xf32>)  : i32 {
        %mul3A_570 = arith.constant 2 : i32
        %mul3A_571 = arith.muli %scan3A_565, %mul3A_570 : i32
        %get3A = arith.constant 0 : i32
        %get3A_572 = arith.constant 0 : i32
        %get3A_573 = tpu.memref_slice %arg6[%scan3A_478, %get3A, %get3A_572] : memref<4x104x64xf32, #tpu.memory_space<vmem>> -> memref<1x104x64xf32, #tpu.memory_space<vmem>>
        %get3A_574 = tpu.memref_squeeze %get3A_573 : memref<1x104x64xf32, #tpu.memory_space<vmem>> -> memref<104x64xf32, #tpu.memory_space<vmem>>
        %get3A_575 = arith.index_cast %mul3A_571 : i32 to index
        %get3A_576 = arith.constant 0 : index
        %get3A_577 = tpu.vector_load %get3A_574[%get3A_575, %get3A_576] {strides = array<i32>} : memref<104x64xf32, #tpu.memory_space<vmem>>, vector<1x16xf32>,
        %get3A_578 = vector.shape_cast %get3A_577 : vector<1x16xf32> to vector<16xf32>
        %add3A_579 = arith.addf %scan3A_566, %get3A_578 : vector<16xf32>
        %add3A_580 = arith.constant 1 : i32
        %add3A_581 = arith.addi %mul3A_571, %add3A_580 : i32
        %get3A_582 = arith.constant 0 : i32
        %get3A_583 = arith.constant 0 : i32
        %get3A_584 = tpu.memref_slice %arg6[%scan3A_478, %get3A_582, %get3A_583] : memref<4x104x64xf32, #tpu.memory_space<vmem>> -> memref<1x104x64xf32, #tpu.memory_space<vmem>>
        %get3A_585 = tpu.memref_squeeze %get3A_584 : memref<1x104x64xf32, #tpu.memory_space<vmem>> -> memref<104x64xf32, #tpu.memory_space<vmem>>
        %get3A_586 = arith.index_cast %add3A_581 : i32 to index
        %get3A_587 = arith.constant 0 : index
        %get3A_588 = tpu.vector_load %get3A_585[%get3A_586, %get3A_587] {strides = array<i32>} : memref<104x64xf32, #tpu.memory_space<vmem>>, vector<1x16xf32>,
        %get3A_589 = vector.shape_cast %get3A_588 : vector<1x16xf32> to vector<16xf32>
        %add3A_590 = arith.addf %add3A_579, %get3A_589 : vector<16xf32>
        %get3A_591 = arith.constant 0 : i32
        %get3A_592 = arith.constant 0 : i32
        %get3A_593 = tpu.memref_slice %arg6[%scan3A_478, %get3A_591, %get3A_592] : memref<4x104x64xf32, #tpu.memory_space<vmem>> -> memref<1x104x64xf32, #tpu.memory_space<vmem>>
        %get3A_594 = tpu.memref_squeeze %get3A_593 : memref<1x104x64xf32, #tpu.memory_space<vmem>> -> memref<104x64xf32, #tpu.memory_space<vmem>>
        %get3A_595 = arith.index_cast %mul3A_571 : i32 to index
        %get3A_596 = arith.constant 16 : index
        %get3A_597 = tpu.vector_load %get3A_594[%get3A_595, %get3A_596] {strides = array<i32>} : memref<104x64xf32, #tpu.memory_space<vmem>>, vector<1x16xf32>,
        %get3A_598 = vector.shape_cast %get3A_597 : vector<1x16xf32> to vector<16xf32>
        %add3A_599 = arith.addf %scan3A_567, %get3A_598 : vector<16xf32>
        %add3A_600 = arith.constant 1 : i32
        %add3A_601 = arith.addi %mul3A_571, %add3A_600 : i32
        %get3A_602 = arith.constant 0 : i32
        %get3A_603 = arith.constant 0 : i32
        %get3A_604 = tpu.memref_slice %arg6[%scan3A_478, %get3A_602, %get3A_603] : memref<4x104x64xf32, #tpu.memory_space<vmem>> -> memref<1x104x64xf32, #tpu.memory_space<vmem>>
        %get3A_605 = tpu.memref_squeeze %get3A_604 : memref<1x104x64xf32, #tpu.memory_space<vmem>> -> memref<104x64xf32, #tpu.memory_space<vmem>>
        %get3A_606 = arith.index_cast %add3A_601 : i32 to index
        %get3A_607 = arith.constant 16 : index
        %get3A_608 = tpu.vector_load %get3A_605[%get3A_606, %get3A_607] {strides = array<i32>} : memref<104x64xf32, #tpu.memory_space<vmem>>, vector<1x16xf32>,
        %get3A_609 = vector.shape_cast %get3A_608 : vector<1x16xf32> to vector<16xf32>
        %add3A_610 = arith.addf %add3A_599, %get3A_609 : vector<16xf32>
        %get3A_611 = arith.constant 0 : i32
        %get3A_612 = arith.constant 0 : i32
        %get3A_613 = tpu.memref_slice %arg6[%scan3A_478, %get3A_611, %get3A_612] : memref<4x104x64xf32, #tpu.memory_space<vmem>> -> memref<1x104x64xf32, #tpu.memory_space<vmem>>
        %get3A_614 = tpu.memref_squeeze %get3A_613 : memref<1x104x64xf32, #tpu.memory_space<vmem>> -> memref<104x64xf32, #tpu.memory_space<vmem>>
        %get3A_615 = arith.index_cast %mul3A_571 : i32 to index
        %get3A_616 = arith.constant 32 : index
        %get3A_617 = tpu.vector_load %get3A_614[%get3A_615, %get3A_616] {strides = array<i32>} : memref<104x64xf32, #tpu.memory_space<vmem>>, vector<1x16xf32>,
        %get3A_618 = vector.shape_cast %get3A_617 : vector<1x16xf32> to vector<16xf32>
        %add3A_619 = arith.addf %scan3A_568, %get3A_618 : vector<16xf32>
        %add3A_620 = arith.constant 1 : i32
        %add3A_621 = arith.addi %mul3A_571, %add3A_620 : i32
        %get3A_622 = arith.constant 0 : i32
        %get3A_623 = arith.constant 0 : i32
        %get3A_624 = tpu.memref_slice %arg6[%scan3A_478, %get3A_622, %get3A_623] : memref<4x104x64xf32, #tpu.memory_space<vmem>> -> memref<1x104x64xf32, #tpu.memory_space<vmem>>
        %get3A_625 = tpu.memref_squeeze %get3A_624 : memref<1x104x64xf32, #tpu.memory_space<vmem>> -> memref<104x64xf32, #tpu.memory_space<vmem>>
        %get3A_626 = arith.index_cast %add3A_621 : i32 to index
        %get3A_627 = arith.constant 32 : index
        %get3A_628 = tpu.vector_load %get3A_625[%get3A_626, %get3A_627] {strides = array<i32>} : memref<104x64xf32, #tpu.memory_space<vmem>>, vector<1x16xf32>,
        %get3A_629 = vector.shape_cast %get3A_628 : vector<1x16xf32> to vector<16xf32>
        %add3A_630 = arith.addf %add3A_619, %get3A_629 : vector<16xf32>
        %get3A_631 = arith.constant 0 : i32
        %get3A_632 = arith.constant 0 : i32
        %get3A_633 = tpu.memref_slice %arg6[%scan3A_478, %get3A_631, %get3A_632] : memref<4x104x64xf32, #tpu.memory_space<vmem>> -> memref<1x104x64xf32, #tpu.memory_space<vmem>>
        %get3A_634 = tpu.memref_squeeze %get3A_633 : memref<1x104x64xf32, #tpu.memory_space<vmem>> -> memref<104x64xf32, #tpu.memory_space<vmem>>
        %get3A_635 = arith.index_cast %mul3A_571 : i32 to index
        %get3A_636 = arith.constant 48 : index
        %get3A_637 = tpu.vector_load %get3A_634[%get3A_635, %get3A_636] {strides = array<i32>} : memref<104x64xf32, #tpu.memory_space<vmem>>, vector<1x16xf32>,
        %get3A_638 = vector.shape_cast %get3A_637 : vector<1x16xf32> to vector<16xf32>
        %add3A_639 = arith.addf %scan3A_569, %get3A_638 : vector<16xf32>
        %add3A_640 = arith.constant 1 : i32
        %add3A_641 = arith.addi %mul3A_571, %add3A_640 : i32
        %get3A_642 = arith.constant 0 : i32
        %get3A_643 = arith.constant 0 : i32
        %get3A_644 = tpu.memref_slice %arg6[%scan3A_478, %get3A_642, %get3A_643] : memref<4x104x64xf32, #tpu.memory_space<vmem>> -> memref<1x104x64xf32, #tpu.memory_space<vmem>>
        %get3A_645 = tpu.memref_squeeze %get3A_644 : memref<1x104x64xf32, #tpu.memory_space<vmem>> -> memref<104x64xf32, #tpu.memory_space<vmem>>
        %get3A_646 = arith.index_cast %add3A_641 : i32 to index
        %get3A_647 = arith.constant 48 : index
        %get3A_648 = tpu.vector_load %get3A_645[%get3A_646, %get3A_647] {strides = array<i32>} : memref<104x64xf32, #tpu.memory_space<vmem>>, vector<1x16xf32>,
        %get3A_649 = vector.shape_cast %get3A_648 : vector<1x16xf32> to vector<16xf32>
        %add3A_650 = arith.addf %add3A_639, %get3A_649 : vector<16xf32>
        scf.yield %add3A_590, %add3A_610, %add3A_630, %add3A_650 : vector<16xf32>, vector<16xf32>, vector<16xf32>, vector<16xf32>
      }
      %scan3A_484 = arith.constant 52 : i32
      %add3A_485 = arith.constant 3 : i32
      %add3A_486 = arith.addi %add3A_130, %add3A_485 : i32
      %add3A_487 = arith.constant 4 : i32
      %add3A_488 = arith.addi %add3A_486, %add3A_487 : i32
      %lt3A_489 = arith.constant 128 : i32
      %lt3A_490 = arith.cmpi slt, %add3A_488, %lt3A_489 : i32
      %convert_element_type3A_491 = arith.extui %lt3A_490 : i1 to i32
      %cond3A_492 = arith.constant 0 : i32
      %cond3A_493 = arith.cmpi ne, %convert_element_type3A_491, %cond3A_492 : i32
      scf.if %cond3A_493 {
        %add3A_565 = arith.constant 3 : i32
        %add3A_566 = arith.addi %add3A_130, %add3A_565 : i32
        %add3A_567 = arith.constant 4 : i32
        %add3A_568 = arith.addi %add3A_566, %add3A_567 : i32
        %dma_start3A_569 = arith.constant 3 : i32
        %dma_start3A_570 = arith.constant 3 : i32
        %dma_start3A_571 = arith.constant 0 : i32
        %dma_start3A_572 = arith.constant 0 : i32
        %dma_start3A_573 = tpu.memref_slice %arg6[%dma_start3A_569, %dma_start3A_571, %dma_start3A_572] : memref<4x104x64xf32, #tpu.memory_space<vmem>> -> memref<1x104x64xf32, #tpu.memory_space<vmem>>
        %dma_start3A_574 = tpu.memref_squeeze %dma_start3A_573 : memref<1x104x64xf32, #tpu.memory_space<vmem>> -> memref<104x64xf32, #tpu.memory_space<vmem>>
        %dma_start3A_575 = arith.constant 0 : i32
        %dma_start3A_576 = tpu.memref_slice %arg5[%add3A_568, %dma_start3A_575] : memref<128x256xi32, #tpu.memory_space<vmem>> -> memref<1x104xi32, #tpu.memory_space<vmem>>
        %dma_start3A_577 = tpu.memref_squeeze %dma_start3A_576 : memref<1x104xi32, #tpu.memory_space<vmem>> -> memref<104xi32, #tpu.memory_space<vmem>>
        %dma_start3A_578 = arith.constant 0 : i32
        %dma_start3A_579 = arith.constant 0 : i32
        %dma_start3A_580 = tpu.memref_slice %arg3[%dma_start3A_578, %dma_start3A_579] : memref<1000000x64xf32, #tpu.memory_space<hbm>> -> memref<1000000x64xf32, #tpu.memory_space<hbm>>
        %dma_start3A_581 = tpu.memref_slice %arg9[%dma_start3A_570] : memref<4x!tpu.dma_semaphore, #tpu.memory_space<semaphore_mem>> -> memref<1x!tpu.dma_semaphore, #tpu.memory_space<semaphore_mem>>
        %dma_start3A_582 = tpu.memref_squeeze %dma_start3A_581 : memref<1x!tpu.dma_semaphore, #tpu.memory_space<semaphore_mem>> -> memref<!tpu.dma_semaphore, #tpu.memory_space<semaphore_mem>>
        tpu.enqueue_indirect_dma source(%dma_start3A_580 : memref<1000000x64xf32, #tpu.memory_space<hbm>>) target(%dma_start3A_574 : memref<104x64xf32, #tpu.memory_space<vmem>>) offsets(%dma_start3A_577 : memref<104xi32, #tpu.memory_space<vmem>>) semaphore(%dma_start3A_582 : memref<!tpu.dma_semaphore, #tpu.memory_space<semaphore_mem>>)
      } else {
      }
      %dma_wait3A_494 = arith.constant 0 : i32
      %dma_wait3A_495 = arith.constant 3 : i32
      %dma_wait3A_496 = arith.constant 3 : i32
      %dma_wait3A_497 = arith.constant 0 : i32
      %dma_wait3A_498 = arith.constant 0 : i32
      %dma_wait3A_499 = tpu.memref_slice %arg7[%dma_wait3A_495, %dma_wait3A_497, %dma_wait3A_498] : memref<4x96x64xf32, #tpu.memory_space<vmem>> -> memref<1x96x64xf32, #tpu.memory_space<vmem>>
      %dma_wait3A_500 = tpu.memref_squeeze %dma_wait3A_499 : memref<1x96x64xf32, #tpu.memory_space<vmem>> -> memref<96x64xf32, #tpu.memory_space<vmem>>
      %dma_wait3A_501 = arith.constant 104 : i32
      %dma_wait3A_502 = tpu.memref_slice %arg5[%dma_wait3A_494, %dma_wait3A_501] : memref<128x256xi32, #tpu.memory_space<vmem>> -> memref<1x96xi32, #tpu.memory_space<vmem>>
      %dma_wait3A_503 = tpu.memref_squeeze %dma_wait3A_502 : memref<1x96xi32, #tpu.memory_space<vmem>> -> memref<96xi32, #tpu.memory_space<vmem>>
      %dma_wait3A_504 = arith.constant 0 : i32
      %dma_wait3A_505 = arith.constant 0 : i32
      %dma_wait3A_506 = tpu.memref_slice %arg3[%dma_wait3A_504, %dma_wait3A_505] : memref<1000000x64xf32, #tpu.memory_space<hbm>> -> memref<1000000x64xf32, #tpu.memory_space<hbm>>
      %dma_wait3A_507 = tpu.memref_slice %arg10[%dma_wait3A_496] : memref<4x!tpu.dma_semaphore, #tpu.memory_space<semaphore_mem>> -> memref<1x!tpu.dma_semaphore, #tpu.memory_space<semaphore_mem>>
      %dma_wait3A_508 = tpu.memref_squeeze %dma_wait3A_507 : memref<1x!tpu.dma_semaphore, #tpu.memory_space<semaphore_mem>> -> memref<!tpu.dma_semaphore, #tpu.memory_space<semaphore_mem>>
      tpu.wait_indirect_dma semaphore(%dma_wait3A_508 : memref<!tpu.dma_semaphore, #tpu.memory_space<semaphore_mem>>) src(%dma_wait3A_506 : memref<1000000x64xf32, #tpu.memory_space<hbm>>) dst(%dma_wait3A_500 : memref<96x64xf32, #tpu.memory_space<vmem>>)
      %scan3A_509 = arith.constant 3 : i32
      %scan3A_510 = arith.constant 0 : i32
      %scan3A_511 = arith.constant 48 : i32
      %scan3A_512 = arith.addi %scan3A_510, %scan3A_511 : i32
      %scan3A_513 = arith.constant 1 : i32
      %scan3A_514:4 = scf.for %scan3A_565 = %scan3A_510 to %scan3A_512 step %scan3A_513 iter_args(%scan3A_566 = %scan3A_483#0, %scan3A_567 = %scan3A_483#1, %scan3A_568 = %scan3A_483#2, %scan3A_569 = %scan3A_483#3) -> (vector<16xf32>, vector<16xf32>, vector<16xf32>, vector<16xf32>)  : i32 {
        %mul3A_570 = arith.constant 2 : i32
        %mul3A_571 = arith.muli %scan3A_565, %mul3A_570 : i32
        %get3A = arith.constant 0 : i32
        %get3A_572 = arith.constant 0 : i32
        %get3A_573 = tpu.memref_slice %arg7[%scan3A_509, %get3A, %get3A_572] : memref<4x96x64xf32, #tpu.memory_space<vmem>> -> memref<1x96x64xf32, #tpu.memory_space<vmem>>
        %get3A_574 = tpu.memref_squeeze %get3A_573 : memref<1x96x64xf32, #tpu.memory_space<vmem>> -> memref<96x64xf32, #tpu.memory_space<vmem>>
        %get3A_575 = arith.index_cast %mul3A_571 : i32 to index
        %get3A_576 = arith.constant 0 : index
        %get3A_577 = tpu.vector_load %get3A_574[%get3A_575, %get3A_576] {strides = array<i32>} : memref<96x64xf32, #tpu.memory_space<vmem>>, vector<1x16xf32>,
        %get3A_578 = vector.shape_cast %get3A_577 : vector<1x16xf32> to vector<16xf32>
        %add3A_579 = arith.addf %scan3A_566, %get3A_578 : vector<16xf32>
        %add3A_580 = arith.constant 1 : i32
        %add3A_581 = arith.addi %mul3A_571, %add3A_580 : i32
        %get3A_582 = arith.constant 0 : i32
        %get3A_583 = arith.constant 0 : i32
        %get3A_584 = tpu.memref_slice %arg7[%scan3A_509, %get3A_582, %get3A_583] : memref<4x96x64xf32, #tpu.memory_space<vmem>> -> memref<1x96x64xf32, #tpu.memory_space<vmem>>
        %get3A_585 = tpu.memref_squeeze %get3A_584 : memref<1x96x64xf32, #tpu.memory_space<vmem>> -> memref<96x64xf32, #tpu.memory_space<vmem>>
        %get3A_586 = arith.index_cast %add3A_581 : i32 to index
        %get3A_587 = arith.constant 0 : index
        %get3A_588 = tpu.vector_load %get3A_585[%get3A_586, %get3A_587] {strides = array<i32>} : memref<96x64xf32, #tpu.memory_space<vmem>>, vector<1x16xf32>,
        %get3A_589 = vector.shape_cast %get3A_588 : vector<1x16xf32> to vector<16xf32>
        %add3A_590 = arith.addf %add3A_579, %get3A_589 : vector<16xf32>
        %get3A_591 = arith.constant 0 : i32
        %get3A_592 = arith.constant 0 : i32
        %get3A_593 = tpu.memref_slice %arg7[%scan3A_509, %get3A_591, %get3A_592] : memref<4x96x64xf32, #tpu.memory_space<vmem>> -> memref<1x96x64xf32, #tpu.memory_space<vmem>>
        %get3A_594 = tpu.memref_squeeze %get3A_593 : memref<1x96x64xf32, #tpu.memory_space<vmem>> -> memref<96x64xf32, #tpu.memory_space<vmem>>
        %get3A_595 = arith.index_cast %mul3A_571 : i32 to index
        %get3A_596 = arith.constant 16 : index
        %get3A_597 = tpu.vector_load %get3A_594[%get3A_595, %get3A_596] {strides = array<i32>} : memref<96x64xf32, #tpu.memory_space<vmem>>, vector<1x16xf32>,
        %get3A_598 = vector.shape_cast %get3A_597 : vector<1x16xf32> to vector<16xf32>
        %add3A_599 = arith.addf %scan3A_567, %get3A_598 : vector<16xf32>
        %add3A_600 = arith.constant 1 : i32
        %add3A_601 = arith.addi %mul3A_571, %add3A_600 : i32
        %get3A_602 = arith.constant 0 : i32
        %get3A_603 = arith.constant 0 : i32
        %get3A_604 = tpu.memref_slice %arg7[%scan3A_509, %get3A_602, %get3A_603] : memref<4x96x64xf32, #tpu.memory_space<vmem>> -> memref<1x96x64xf32, #tpu.memory_space<vmem>>
        %get3A_605 = tpu.memref_squeeze %get3A_604 : memref<1x96x64xf32, #tpu.memory_space<vmem>> -> memref<96x64xf32, #tpu.memory_space<vmem>>
        %get3A_606 = arith.index_cast %add3A_601 : i32 to index
        %get3A_607 = arith.constant 16 : index
        %get3A_608 = tpu.vector_load %get3A_605[%get3A_606, %get3A_607] {strides = array<i32>} : memref<96x64xf32, #tpu.memory_space<vmem>>, vector<1x16xf32>,
        %get3A_609 = vector.shape_cast %get3A_608 : vector<1x16xf32> to vector<16xf32>
        %add3A_610 = arith.addf %add3A_599, %get3A_609 : vector<16xf32>
        %get3A_611 = arith.constant 0 : i32
        %get3A_612 = arith.constant 0 : i32
        %get3A_613 = tpu.memref_slice %arg7[%scan3A_509, %get3A_611, %get3A_612] : memref<4x96x64xf32, #tpu.memory_space<vmem>> -> memref<1x96x64xf32, #tpu.memory_space<vmem>>
        %get3A_614 = tpu.memref_squeeze %get3A_613 : memref<1x96x64xf32, #tpu.memory_space<vmem>> -> memref<96x64xf32, #tpu.memory_space<vmem>>
        %get3A_615 = arith.index_cast %mul3A_571 : i32 to index
        %get3A_616 = arith.constant 32 : index
        %get3A_617 = tpu.vector_load %get3A_614[%get3A_615, %get3A_616] {strides = array<i32>} : memref<96x64xf32, #tpu.memory_space<vmem>>, vector<1x16xf32>,
        %get3A_618 = vector.shape_cast %get3A_617 : vector<1x16xf32> to vector<16xf32>
        %add3A_619 = arith.addf %scan3A_568, %get3A_618 : vector<16xf32>
        %add3A_620 = arith.constant 1 : i32
        %add3A_621 = arith.addi %mul3A_571, %add3A_620 : i32
        %get3A_622 = arith.constant 0 : i32
        %get3A_623 = arith.constant 0 : i32
        %get3A_624 = tpu.memref_slice %arg7[%scan3A_509, %get3A_622, %get3A_623] : memref<4x96x64xf32, #tpu.memory_space<vmem>> -> memref<1x96x64xf32, #tpu.memory_space<vmem>>
        %get3A_625 = tpu.memref_squeeze %get3A_624 : memref<1x96x64xf32, #tpu.memory_space<vmem>> -> memref<96x64xf32, #tpu.memory_space<vmem>>
        %get3A_626 = arith.index_cast %add3A_621 : i32 to index
        %get3A_627 = arith.constant 32 : index
        %get3A_628 = tpu.vector_load %get3A_625[%get3A_626, %get3A_627] {strides = array<i32>} : memref<96x64xf32, #tpu.memory_space<vmem>>, vector<1x16xf32>,
        %get3A_629 = vector.shape_cast %get3A_628 : vector<1x16xf32> to vector<16xf32>
        %add3A_630 = arith.addf %add3A_619, %get3A_629 : vector<16xf32>
        %get3A_631 = arith.constant 0 : i32
        %get3A_632 = arith.constant 0 : i32
        %get3A_633 = tpu.memref_slice %arg7[%scan3A_509, %get3A_631, %get3A_632] : memref<4x96x64xf32, #tpu.memory_space<vmem>> -> memref<1x96x64xf32, #tpu.memory_space<vmem>>
        %get3A_634 = tpu.memref_squeeze %get3A_633 : memref<1x96x64xf32, #tpu.memory_space<vmem>> -> memref<96x64xf32, #tpu.memory_space<vmem>>
        %get3A_635 = arith.index_cast %mul3A_571 : i32 to index
        %get3A_636 = arith.constant 48 : index
        %get3A_637 = tpu.vector_load %get3A_634[%get3A_635, %get3A_636] {strides = array<i32>} : memref<96x64xf32, #tpu.memory_space<vmem>>, vector<1x16xf32>,
        %get3A_638 = vector.shape_cast %get3A_637 : vector<1x16xf32> to vector<16xf32>
        %add3A_639 = arith.addf %scan3A_569, %get3A_638 : vector<16xf32>
        %add3A_640 = arith.constant 1 : i32
        %add3A_641 = arith.addi %mul3A_571, %add3A_640 : i32
        %get3A_642 = arith.constant 0 : i32
        %get3A_643 = arith.constant 0 : i32
        %get3A_644 = tpu.memref_slice %arg7[%scan3A_509, %get3A_642, %get3A_643] : memref<4x96x64xf32, #tpu.memory_space<vmem>> -> memref<1x96x64xf32, #tpu.memory_space<vmem>>
        %get3A_645 = tpu.memref_squeeze %get3A_644 : memref<1x96x64xf32, #tpu.memory_space<vmem>> -> memref<96x64xf32, #tpu.memory_space<vmem>>
        %get3A_646 = arith.index_cast %add3A_641 : i32 to index
        %get3A_647 = arith.constant 48 : index
        %get3A_648 = tpu.vector_load %get3A_645[%get3A_646, %get3A_647] {strides = array<i32>} : memref<96x64xf32, #tpu.memory_space<vmem>>, vector<1x16xf32>,
        %get3A_649 = vector.shape_cast %get3A_648 : vector<1x16xf32> to vector<16xf32>
        %add3A_650 = arith.addf %add3A_639, %get3A_649 : vector<16xf32>
        scf.yield %add3A_590, %add3A_610, %add3A_630, %add3A_650 : vector<16xf32>, vector<16xf32>, vector<16xf32>, vector<16xf32>
      }
      %scan3A_515 = arith.constant 48 : i32
      %add3A_516 = arith.constant 3 : i32
      %add3A_517 = arith.addi %add3A_130, %add3A_516 : i32
      %add3A_518 = arith.constant 4 : i32
      %add3A_519 = arith.addi %add3A_517, %add3A_518 : i32
      %lt3A_520 = arith.constant 128 : i32
      %lt3A_521 = arith.cmpi slt, %add3A_519, %lt3A_520 : i32
      %convert_element_type3A_522 = arith.extui %lt3A_521 : i1 to i32
      %cond3A_523 = arith.constant 0 : i32
      %cond3A_524 = arith.cmpi ne, %convert_element_type3A_522, %cond3A_523 : i32
      scf.if %cond3A_524 {
        %add3A_565 = arith.constant 3 : i32
        %add3A_566 = arith.addi %add3A_130, %add3A_565 : i32
        %add3A_567 = arith.constant 4 : i32
        %add3A_568 = arith.addi %add3A_566, %add3A_567 : i32
        %dma_start3A_569 = arith.constant 3 : i32
        %dma_start3A_570 = arith.constant 3 : i32
        %dma_start3A_571 = arith.constant 0 : i32
        %dma_start3A_572 = arith.constant 0 : i32
        %dma_start3A_573 = tpu.memref_slice %arg7[%dma_start3A_569, %dma_start3A_571, %dma_start3A_572] : memref<4x96x64xf32, #tpu.memory_space<vmem>> -> memref<1x96x64xf32, #tpu.memory_space<vmem>>
        %dma_start3A_574 = tpu.memref_squeeze %dma_start3A_573 : memref<1x96x64xf32, #tpu.memory_space<vmem>> -> memref<96x64xf32, #tpu.memory_space<vmem>>
        %dma_start3A_575 = arith.constant 104 : i32
        %dma_start3A_576 = tpu.memref_slice %arg5[%add3A_568, %dma_start3A_575] : memref<128x256xi32, #tpu.memory_space<vmem>> -> memref<1x96xi32, #tpu.memory_space<vmem>>
        %dma_start3A_577 = tpu.memref_squeeze %dma_start3A_576 : memref<1x96xi32, #tpu.memory_space<vmem>> -> memref<96xi32, #tpu.memory_space<vmem>>
        %dma_start3A_578 = arith.constant 0 : i32
        %dma_start3A_579 = arith.constant 0 : i32
        %dma_start3A_580 = tpu.memref_slice %arg3[%dma_start3A_578, %dma_start3A_579] : memref<1000000x64xf32, #tpu.memory_space<hbm>> -> memref<1000000x64xf32, #tpu.memory_space<hbm>>
        %dma_start3A_581 = tpu.memref_slice %arg10[%dma_start3A_570] : memref<4x!tpu.dma_semaphore, #tpu.memory_space<semaphore_mem>> -> memref<1x!tpu.dma_semaphore, #tpu.memory_space<semaphore_mem>>
        %dma_start3A_582 = tpu.memref_squeeze %dma_start3A_581 : memref<1x!tpu.dma_semaphore, #tpu.memory_space<semaphore_mem>> -> memref<!tpu.dma_semaphore, #tpu.memory_space<semaphore_mem>>
        tpu.enqueue_indirect_dma source(%dma_start3A_580 : memref<1000000x64xf32, #tpu.memory_space<hbm>>) target(%dma_start3A_574 : memref<96x64xf32, #tpu.memory_space<vmem>>) offsets(%dma_start3A_577 : memref<96xi32, #tpu.memory_space<vmem>>) semaphore(%dma_start3A_582 : memref<!tpu.dma_semaphore, #tpu.memory_space<semaphore_mem>>)
      } else {
      }
      %mul3A_525 = arith.constant 5.000000e-03 : f32
      %mul3A_526 = vector.broadcast %mul3A_525 : f32 to vector<16xf32>
      %mul3A_527 = arith.mulf %scan3A_514#0, %mul3A_526 : vector<16xf32>
      %add3A_528 = arith.constant 3 : i32
      %add3A_529 = arith.addi %add3A_130, %add3A_528 : i32
      %swap3A_530 = arith.index_cast %add3A_529 : i32 to index
      %swap3A_531 = arith.constant 0 : index
      %swap3A_532 = tpu.vector_load %arg8[%swap3A_530, %swap3A_531] {strides = array<i32>} : memref<128x64xf32, #tpu.memory_space<vmem>>, vector<1x16xf32>,
      %swap3A_533 = vector.shape_cast %swap3A_532 : vector<1x16xf32> to vector<16xf32>
      %swap3A_534 = vector.shape_cast %mul3A_527 : vector<16xf32> to vector<1x16xf32>
      tpu.vector_store %arg8[%swap3A_530, %swap3A_531], %swap3A_534 {strides = array<i32>} : memref<128x64xf32, #tpu.memory_space<vmem>>, vector<1x16xf32>,
      %mul3A_535 = arith.constant 5.000000e-03 : f32
      %mul3A_536 = vector.broadcast %mul3A_535 : f32 to vector<16xf32>
      %mul3A_537 = arith.mulf %scan3A_514#1, %mul3A_536 : vector<16xf32>
      %add3A_538 = arith.constant 3 : i32
      %add3A_539 = arith.addi %add3A_130, %add3A_538 : i32
      %swap3A_540 = arith.index_cast %add3A_539 : i32 to index
      %swap3A_541 = arith.constant 16 : index
      %swap3A_542 = tpu.vector_load %arg8[%swap3A_540, %swap3A_541] {strides = array<i32>} : memref<128x64xf32, #tpu.memory_space<vmem>>, vector<1x16xf32>,
      %swap3A_543 = vector.shape_cast %swap3A_542 : vector<1x16xf32> to vector<16xf32>
      %swap3A_544 = vector.shape_cast %mul3A_537 : vector<16xf32> to vector<1x16xf32>
      tpu.vector_store %arg8[%swap3A_540, %swap3A_541], %swap3A_544 {strides = array<i32>} : memref<128x64xf32, #tpu.memory_space<vmem>>, vector<1x16xf32>,
      %mul3A_545 = arith.constant 5.000000e-03 : f32
      %mul3A_546 = vector.broadcast %mul3A_545 : f32 to vector<16xf32>
      %mul3A_547 = arith.mulf %scan3A_514#2, %mul3A_546 : vector<16xf32>
      %add3A_548 = arith.constant 3 : i32
      %add3A_549 = arith.addi %add3A_130, %add3A_548 : i32
      %swap3A_550 = arith.index_cast %add3A_549 : i32 to index
      %swap3A_551 = arith.constant 32 : index
      %swap3A_552 = tpu.vector_load %arg8[%swap3A_550, %swap3A_551] {strides = array<i32>} : memref<128x64xf32, #tpu.memory_space<vmem>>, vector<1x16xf32>,
      %swap3A_553 = vector.shape_cast %swap3A_552 : vector<1x16xf32> to vector<16xf32>
      %swap3A_554 = vector.shape_cast %mul3A_547 : vector<16xf32> to vector<1x16xf32>
      tpu.vector_store %arg8[%swap3A_550, %swap3A_551], %swap3A_554 {strides = array<i32>} : memref<128x64xf32, #tpu.memory_space<vmem>>, vector<1x16xf32>,
      %mul3A_555 = arith.constant 5.000000e-03 : f32
      %mul3A_556 = vector.broadcast %mul3A_555 : f32 to vector<16xf32>
      %mul3A_557 = arith.mulf %scan3A_514#3, %mul3A_556 : vector<16xf32>
      %add3A_558 = arith.constant 3 : i32
      %add3A_559 = arith.addi %add3A_130, %add3A_558 : i32
      %swap3A_560 = arith.index_cast %add3A_559 : i32 to index
      %swap3A_561 = arith.constant 48 : index
      %swap3A_562 = tpu.vector_load %arg8[%swap3A_560, %swap3A_561] {strides = array<i32>} : memref<128x64xf32, #tpu.memory_space<vmem>>, vector<1x16xf32>,
      %swap3A_563 = vector.shape_cast %swap3A_562 : vector<1x16xf32> to vector<16xf32>
      %swap3A_564 = vector.shape_cast %mul3A_557 : vector<16xf32> to vector<1x16xf32>
      tpu.vector_store %arg8[%swap3A_560, %swap3A_561], %swap3A_564 {strides = array<i32>} : memref<128x64xf32, #tpu.memory_space<vmem>>, vector<1x16xf32>,
    }
    %scan3A_125 = arith.constant 32 : i32
    "tpu.region"() ({
      %run_scoped3A = tpu.sem_alloc : memref<!tpu.dma_semaphore, #tpu.memory_space<semaphore_mem>>
      %dma_start3A_126 = arith.constant 0 : i32
      %dma_start3A_127 = tpu.memref_slice %arg4[%mul3A_2, %dma_start3A_126] : memref<4096x64xf32, #tpu.memory_space<hbm>> -> memref<128x64xf32, #tpu.memory_space<hbm>>
      %dma_start3A_128 = arith.constant 0 : i32
      %dma_start3A_129 = tpu.memref_slice %arg4[%mul3A_2, %dma_start3A_128] : memref<4096x64xf32, #tpu.memory_space<hbm>> -> memref<128x64xf32, #tpu.memory_space<hbm>>
      tpu.enqueue_dma source(%arg8 : memref<128x64xf32, #tpu.memory_space<vmem>>) target(%dma_start3A_129 : memref<128x64xf32, #tpu.memory_space<hbm>>) target_semaphore(%run_scoped3A : memref<!tpu.dma_semaphore, #tpu.memory_space<semaphore_mem>>)
      %dma_wait3A = arith.constant 0 : i32
      %dma_wait3A_130 = tpu.memref_slice %arg4[%mul3A_2, %dma_wait3A] : memref<4096x64xf32, #tpu.memory_space<hbm>> -> memref<128x64xf32, #tpu.memory_space<hbm>>
      %dma_wait3A_131 = arith.constant 0 : i32
      %dma_wait3A_132 = tpu.memref_slice %arg4[%mul3A_2, %dma_wait3A_131] : memref<4096x64xf32, #tpu.memory_space<hbm>> -> memref<128x64xf32, #tpu.memory_space<hbm>>
      tpu.wait_dma2 semaphore(%run_scoped3A : memref<!tpu.dma_semaphore, #tpu.memory_space<semaphore_mem>>) src(%arg8 : memref<128x64xf32, #tpu.memory_space<vmem>>) dst(%dma_wait3A_132 : memref<128x64xf32, #tpu.memory_space<hbm>>)
      tpu.yield
    }) : () -> ()
    return
  }
}

module attributes {stable_mosaic.version = 14 : i64} {
  func.func @_mlp_body(%arg0: i32, %arg1: memref<512x64xf32, #tpu.memory_space<vmem>>, %arg2: memref<64x256xf32, #tpu.memory_space<vmem>>, %arg3: memref<1x256xf32, #tpu.memory_space<vmem>>, %arg4: memref<256x128xf32, #tpu.memory_space<vmem>>, %arg5: memref<1x128xf32, #tpu.memory_space<vmem>>, %arg6: memref<512x128xf32, #tpu.memory_space<vmem>>) attributes {dimension_semantics = [#tpu.dimension_semantics<arbitrary>], iteration_bounds = array<i64: 8>, scalar_prefetch = 0 : i64, scratch_operands = 0 : i64, tpu.core_type = #tpu.core_type<tc>, window_params = [{transform_indices = @transform_0, window_bounds = array<i64: 512, 64>}, {pipeline_mode = #tpu.pipeline_mode<synchronous>, transform_indices = @transform_1, window_bounds = array<i64: 64, 256>}, {pipeline_mode = #tpu.pipeline_mode<synchronous>, transform_indices = @transform_2, window_bounds = array<i64: 1, 256>}, {pipeline_mode = #tpu.pipeline_mode<synchronous>, transform_indices = @transform_3, window_bounds = array<i64: 256, 128>}, {pipeline_mode = #tpu.pipeline_mode<synchronous>, transform_indices = @transform_4, window_bounds = array<i64: 1, 128>}, {transform_indices = @transform_5, window_bounds = array<i64: 512, 128>}]} {
    %get3A = arith.constant 0 : index
    %get3A_0 = arith.constant 0 : index
    %get3A_1 = vector.load %arg1[%get3A, %get3A_0] : memref<512x64xf32, #tpu.memory_space<vmem>>, vector<512x64xf32>
    %get3A_2 = arith.constant 0 : index
    %get3A_3 = arith.constant 0 : index
    %get3A_4 = vector.load %arg2[%get3A_2, %get3A_3] : memref<64x256xf32, #tpu.memory_space<vmem>>, vector<64x256xf32>
    %dot_general3A = arith.constant dense<0.000000e+00> : vector<512x256xf32>
    %dot_general3A_5 = tpu.matmul %get3A_1, %get3A_4, %dot_general3A {dimension_numbers = #tpu.dot_dimension_numbers<[1], [0], [0], [1], [0, 0, 1, 1], [], []>, transpose_lhs_hint = false} : vector<512x64xf32>, vector<64x256xf32>, vector<512x256xf32> -> vector<512x256xf32>
    %get3A_6 = arith.constant 0 : index
    %get3A_7 = arith.constant 0 : index
    %get3A_8 = vector.load %arg3[%get3A_6, %get3A_7] : memref<1x256xf32, #tpu.memory_space<vmem>>, vector<1x256xf32>
    %add3A = vector.broadcast %get3A_8 : vector<1x256xf32> to vector<512x256xf32>
    %add3A_9 = arith.addf %dot_general3A_5, %add3A : vector<512x256xf32>
    %max3A = arith.constant 0.000000e+00 : f32
    %max3A_10 = vector.broadcast %max3A : f32 to vector<512x256xf32>
    %max3A_11 = arith.maximumf %add3A_9, %max3A_10 : vector<512x256xf32>
    %get3A_12 = arith.constant 0 : index
    %get3A_13 = arith.constant 0 : index
    %get3A_14 = vector.load %arg4[%get3A_12, %get3A_13] : memref<256x128xf32, #tpu.memory_space<vmem>>, vector<256x128xf32>
    %dot_general3A_15 = arith.constant dense<0.000000e+00> : vector<512x128xf32>
    %dot_general3A_16 = tpu.matmul %max3A_11, %get3A_14, %dot_general3A_15 {dimension_numbers = #tpu.dot_dimension_numbers<[1], [0], [0], [1], [0, 0, 1, 1], [], []>, transpose_lhs_hint = false} : vector<512x256xf32>, vector<256x128xf32>, vector<512x128xf32> -> vector<512x128xf32>
    %get3A_17 = arith.constant 0 : index
    %get3A_18 = arith.constant 0 : index
    %get3A_19 = vector.load %arg5[%get3A_17, %get3A_18] : memref<1x128xf32, #tpu.memory_space<vmem>>, vector<1x128xf32>
    %add3A_20 = vector.broadcast %get3A_19 : vector<1x128xf32> to vector<512x128xf32>
    %add3A_21 = arith.addf %dot_general3A_16, %add3A_20 : vector<512x128xf32>
    %reduce_max3A = arith.constant dense<0xFF800000> : vector<512xf32>
    %reduce_max3A_22 = vector.multi_reduction <maximumf>, %add3A_21, %reduce_max3A [1] : vector<512x128xf32> to vector<512xf32>
    %broadcast_in_dim3A = vector.shape_cast %reduce_max3A_22 : vector<512xf32> to vector<512x1xf32>
    %sub3A = vector.broadcast %broadcast_in_dim3A : vector<512x1xf32> to vector<512x128xf32>
    %sub3A_23 = arith.subf %add3A_21, %sub3A : vector<512x128xf32>
    %exp3A = math.exp %sub3A_23 : vector<512x128xf32>
    %reduce_sum3A = arith.constant dense<0.000000e+00> : vector<512xf32>
    %reduce_sum3A_24 = vector.multi_reduction <add>, %exp3A, %reduce_sum3A [1] : vector<512x128xf32> to vector<512xf32>
    %broadcast_in_dim3A_25 = vector.shape_cast %reduce_sum3A_24 : vector<512xf32> to vector<512x1xf32>
    %log3A = math.log %broadcast_in_dim3A_25 : vector<512x1xf32>
    %sub3A_26 = vector.broadcast %log3A : vector<512x1xf32> to vector<512x128xf32>
    %sub3A_27 = arith.subf %sub3A_23, %sub3A_26 : vector<512x128xf32>
    %swap3A = arith.constant 0 : index
    %swap3A_28 = arith.constant 0 : index
    %swap3A_29 = vector.load %arg6[%swap3A, %swap3A_28] : memref<512x128xf32, #tpu.memory_space<vmem>>, vector<512x128xf32>
    tpu.vector_store %arg6[%swap3A, %swap3A_28], %sub3A_27 {strides = array<i32>} : memref<512x128xf32, #tpu.memory_space<vmem>>, vector<512x128xf32>,
    return
  }
  func.func @transform_0(%arg0: i32) -> (i32, i32) {
    %c0_i32 = arith.constant 0 : i32
    %c0_i32_0 = arith.constant 0 : i32
    return %arg0, %c0_i32 : i32, i32
  }
  func.func @transform_1(%arg0: i32) -> (i32, i32) {
    %c0_i32 = arith.constant 0 : i32
    %c0_i32_0 = arith.constant 0 : i32
    %c0_i32_1 = arith.constant 0 : i32
    return %c0_i32, %c0_i32_0 : i32, i32
  }
  func.func @transform_2(%arg0: i32) -> (i32, i32) {
    %c0_i32 = arith.constant 0 : i32
    %c0_i32_0 = arith.constant 0 : i32
    %c0_i32_1 = arith.constant 0 : i32
    return %c0_i32, %c0_i32_0 : i32, i32
  }
  func.func @transform_3(%arg0: i32) -> (i32, i32) {
    %c0_i32 = arith.constant 0 : i32
    %c0_i32_0 = arith.constant 0 : i32
    %c0_i32_1 = arith.constant 0 : i32
    return %c0_i32, %c0_i32_0 : i32, i32
  }
  func.func @transform_4(%arg0: i32) -> (i32, i32) {
    %c0_i32 = arith.constant 0 : i32
    %c0_i32_0 = arith.constant 0 : i32
    %c0_i32_1 = arith.constant 0 : i32
    return %c0_i32, %c0_i32_0 : i32, i32
  }
  func.func @transform_5(%arg0: i32) -> (i32, i32) {
    %c0_i32 = arith.constant 0 : i32
    %c0_i32_0 = arith.constant 0 : i32
    return %arg0, %c0_i32 : i32, i32
  }
}

</mosaic_0001>

<sc_bundles>
// kernel: kernel.4.cloned.1.call-start
scs
__scs_entry_jumppad:
0x0: {  	(pc) =	sbr.rel $0x88, $3  }
0x1: {  	(tag) =	ssettag $0x0;
	lr =	simm.s32 $0x1  }
0x2: {  	[smem:$0x3F9B] =	sst lr;
	_ =	strace $0xD0000000  }
0x3: {  	_ = 	snop  }
0x4: {  	_ = 	snop  }
0x5: {  	_ = 	snop  }
0x6: {  	_ = 	snop  }
0x7: {  	_ = 	snop  }
__scs_overlays_trampoline_lowered:
0x8: {  	[smem:$0x3FAA] =	sst s0  }
0x9: {  	[smem:$0x3FAB] =	sst s1  }
0xa: {  	[smem:$0x3FAC] =	sst s2  }
0xb: {  	[smem:$0x3FAD] =	sst s3  }
0xc: {  	[smem:$0x3FAE] =	sst s4  }
0xd: {  	[smem:$0x3FAF] =	sst s5  }
0xe: {  	[smem:$0x3FB0] =	sst s6  }
0xf: {  	[smem:$0x3FB1] =	sst s7  }
0x10: {  	[smem:$0x3FB2] =	sst s8  }
0x11: {  	[smem:$0x3FB3] =	sst s9;
	s0 =	simm.s32 @!p0 $0x0  }
0x12: {  	s1 =	sld [smem:$0x3F99];
	s0 =	simm.s32 @p0 $0x1  }
0x13: {  	[smem:$0x3FB4] =	sst s0;
	s0 =	simm.s32 @!p1 $0x0  }
0x14: {  	s2 =	sld [smem:$0x3F98];
	s0 =	simm.s32 @p1 $0x1  }
0x15: {  	[smem:$0x3FB5] =	sst s0;
	s0 =	simm.s32 @!p2 $0x0  }
0x16: {  	s3 =	sld [smem:$0x3FDB];
	s0 =	simm.s32 @p2 $0x1  }
0x17: {  	s4 =	simm.s32 $0x1BF5;
	[smem:$0x3FB7] =	sst s0  }
0x18: {  	s0 =	sld [smem:$0x3F9A];
	_ =	swait.ge [sflag:s4], $0x0  }
0x19: {  	s7 =	sld [smem:$0x3F9B]  }
0x1a: {  	s8 =	sadd.s32 $0xFFFFE003, lr  }
0x1b: {  	s9 =	sadd.s32 $0xFFFFFEF7, lr;
	s5 =	simm.s32 $0xFFFFFFFF;
	p2 =	slt.u32 s8, $0xFFFFF086  }
0x1c: {  	p1 =	slt.u32 s9, $0xF7A;
	s5 =	simm.s32 @!p2 $0x0  }
0x1d: {  	s5 =	simm.s32 @p1 $0x1;
	p0 =	seq.s32 s7, s2  }
0x1e: {  	s7 =	smul.u32 @!p0 $0xF7A, s2;
	p2 =	seq.s32 @!p0 s5, $0x0  }
0x1f: {  	s9 =	smul.u32 $0xF7A, s1;
	s8 =	simm.s32 @!p0 $0x1BF5;
	p2 =	por !p2, p0  }
0x20: {  	[sflag:s8] =	ssyncset.s32 @!p0 $0xFFFFF086;
	s6 =	sadd.s32 @!p0 s3, s7;
	s7 =	simm.s32 @!p0 $0x108  }
0x21: {  	s3 =	sadd.s32 s3, s9;
	s6 =	sadd.s32 @!p0 $0x88, s6;
	s7 =	simm.s32 @p2 $0x1082  }
0x22: {  	[simem:s7], [sflag:s8] =	dma.local @!p0 [hbm:s6], $0xF7A  }
0x23: {  	s9 =	sor.u32 $0xD0000000, s2;
	s6 =	simm.s32 $0x108;
	_ =	swait.ge @!p0 [sflag:s8], $0x0  }
0x24: {  	s3 =	sadd.s32 $0x88, s3;
	s6 =	simm.s32 @!p1 $0x1082;
	[sflag:s4] =	ssyncset.s32 $0xFFFFF086  }
0x25: {  	[simem:s6], [sflag:s4] =	dma.local [hbm:s3], $0xF7A  }
0x26: {  	[smem:$0x3F9B] =	sst s1;
	(tag) =	ssettag s2;
	_ =	strace s9  }
0x27: {  	s1 =	sld [smem:$0x3FAB]  }
0x28: {  	s2 =	sld [smem:$0x3FAC]  }
0x29: {  	s4 =	sld [smem:$0x3FAE]  }
0x2a: {  	p0 =	seq.s32 s5, $0x0;
	s5 =	sld [smem:$0x3FAF]  }
0x2b: {  	s6 =	sld [smem:$0x3FB0]  }
0x2c: {  	s7 =	sld [smem:$0x3FB1]  }
0x2d: {  	s3 =	simm.s32 $0x108;
	s8 =	sld [smem:$0x3FB2]  }
0x2e: {  	s3 =	simm.s32 @!p0 $0x1082;
	s9 =	sld [smem:$0x3FB3]  }
0x2f: {  	lr =	sadd.s32 s0, s3;
	s0 =	sld [smem:$0x3FAA]  }
0x30: {  	s3 =	sld [smem:$0x3FAD]  }
0x31: {  	[smem:$0x3FB6] =	sst s10  }
0x32: {  	s10 =	sld [smem:$0x3FB4];
	_ =	sdelay $0x3  }
0x33: {  	p0 =	seq.s32 s10, $0x1;
	s10 =	sld [smem:$0x3FB6];
	_ =	sdelay $0x3  }
0x34: {  	[smem:$0x3FB6] =	sst s10  }
0x35: {  	s10 =	sld [smem:$0x3FB5];
	_ =	sdelay $0x3  }
0x36: {  	p1 =	seq.s32 s10, $0x1;
	s10 =	sld [smem:$0x3FB6];
	_ =	sdelay $0x3  }
0x37: {  	[smem:$0x3FB6] =	sst s10  }
0x38: {  	s10 =	sld [smem:$0x3FB7]  }
0x39: {  	_ = 	snop;
	(pc) =	sbr.ind lr, $3  }
0x3a: {  	_ = 	snop  }
0x3b: {  	_ = 	snop  }
0x3c: {  	p2 =	seq.s32 s10, $0x1;
	s10 =	sld [smem:$0x3FB6]  }
0x3d: {  	_ =	shalt  }
0x3e: {  	_ =	shalt  }
0x3f: {  	_ =	shalt  }
0x40: {  	_ =	shalt  }
0x41: {  	_ =	shalt  }
0x42: {  	_ =	shalt  }
0x43: {  	_ =	shalt  }
0x44: {  	_ =	shalt  }
0x45: {  	_ =	shalt  }
0x46: {  	_ =	shalt  }
0x47: {  	_ =	shalt  }
0x48: {  	_ =	shalt  }
0x49: {  	_ =	shalt  }
0x4a: {  	_ =	shalt  }
0x4b: {  	_ =	shalt  }
0x4c: {  	_ =	shalt  }
0x4d: {  	_ =	shalt  }
0x4e: {  	_ =	shalt  }
0x4f: {  	_ =	shalt  }
0x50: {  	_ =	shalt  }
0x51: {  	_ =	shalt  }
0x52: {  	_ =	shalt  }
0x53: {  	_ =	shalt  }
0x54: {  	_ =	shalt  }
0x55: {  	_ =	shalt  }
0x56: {  	_ =	shalt  }
0x57: {  	_ =	shalt  }
0x58: {  	_ =	shalt  }
0x59: {  	_ =	shalt  }
0x5a: {  	_ =	shalt  }
0x5b: {  	_ =	shalt  }
0x5c: {  	_ =	shalt  }
0x5d: {  	_ =	shalt  }
0x5e: {  	_ =	shalt  }
0x5f: {  	_ =	shalt  }
0x60: {  	_ =	shalt  }
0x61: {  	_ =	shalt  }
0x62: {  	_ =	shalt  }
0x63: {  	_ =	shalt  }
0x64: {  	_ =	shalt  }
0x65: {  	_ =	shalt  }
0x66: {  	_ =	shalt  }
0x67: {  	_ =	shalt  }
0x68: {  	_ =	shalt  }
0x69: {  	_ =	shalt  }
0x6a: {  	_ =	shalt  }
0x6b: {  	_ =	shalt  }
0x6c: {  	_ =	shalt  }
0x6d: {  	_ =	shalt  }
0x6e: {  	_ =	shalt  }
0x6f: {  	_ =	shalt  }
0x70: {  	_ =	shalt  }
0x71: {  	_ =	shalt  }
0x72: {  	_ =	shalt  }
0x73: {  	_ =	shalt  }
0x74: {  	_ =	shalt  }
0x75: {  	_ =	shalt  }
0x76: {  	_ =	shalt  }
0x77: {  	_ =	shalt  }
0x78: {  	_ =	shalt  }
0x79: {  	_ =	shalt  }
0x7a: {  	_ =	shalt  }
0x7b: {  	_ =	shalt  }
0x7c: {  	_ =	shalt  }
0x7d: {  	_ =	shalt  }
0x7e: {  	_ =	shalt  }
0x7f: {  	_ =	shalt  }
0x80: {  	_ =	shalt  }
0x81: {  	_ =	shalt  }
0x82: {  	_ =	shalt  }
0x83: {  	_ =	shalt  }
0x84: {  	_ =	shalt  }
0x85: {  	_ =	shalt  }
0x86: {  	_ =	shalt  }
0x87: {  	_ =	shalt  }
.Lfunc_end0:
.L_simem_size_0:
called_computation_lowered:
.L_overlay_start_0:
0x88: {  	s2 =	sld [smem:$0x3FD9]  }
0x89: {  	s3 =	sld [smem:$0x3FFE];
	_ =	sdelay $0x1  }
0x8a: {  	s1 =	srdreg.scid  }
0x8b: {  	s0 =	sand.u32 $0x1, s1  }
0x8c: {  	s16 =	sshll.u32 s0, $0xA;
	s2 =	sadd.s32 s3, s2  }
0x8d: {  	s2 =	sadd.s32 s2, s16  }
0x8e: {  	[smem:$0x3FC2] =	sst s2  }
0x8f: {  	_ = 	snop  }
0x90: {  	(tm) =	ssettm $0x1  }
0x91: {  	s17 =	sld [smem:$0x3FFB];
	_ =	sdelay $0x3  }
0x92: {  	_ =	strace s17  }
0x93: {  	s2 =	sld [smem:$0x3FFC];
	_ =	sdelay $0x3  }
0x94: {  	_ =	strace s2  }
0x95: {  	s2 =	sld [smem:$0x3FFD];
	_ =	sdelay $0x3  }
0x96: {  	_ =	strace s2  }
0x97: {  	_ =	strace $0x8FFFFFFF  }
0x98: {  	s18 =	sld [smem:$0x3FDB];
	_ =	sdelay $0x1  }
0x99: {  	s19 =	simm.s32 $_scs_section_size  }
0x9a: {  	s4 =	simm.s32 $_size__tile_overlayer_lowered;
	s5 =	simm.s32 $_tile_overlayer_lowered  }
0x9b: {  	s22 =	simm.s32 $0x1BFF;
	s21 =	sshll.u32 s5, $0x1;
	s2 =	sadd.s32 s19, s18  }
0x9c: {  	s6 =	simm.s32 $0x0;
	s20 =	sshll.u32 s4, $0x1;
	s4 =	sadd.s32 s21, s2  }
0x9d: {  	[timem:s6], [sflag:s22] =	dma.local [hbm:s4], s20  }
0x9e: {  	_ =	swait.ge [sflag:s22], s20  }
0x9f: {  	s3 =	ssub.s32 $0x0, s20;
	[sflag:s22] =	ssyncset.done $0x0  }
0xa0: {  	[sflag:s22] =	ssyncadd.s32 s3;
	_ =	sdelay $0x1  }
0xa1: {  	s23 =	simm.s32 $0x1B8B  }
0xa2: {  	_ =	swait.ge [sflag:s23], $0x1  }
0xa3: {  	[sflag:s23] =	ssyncset.done $0x0  }
0xa4: {  	s25 =	simm.s32 $0x1B8E;
	s24 =	sld [smem:$0x3FFE];
	[sflag:s23] =	ssyncadd.s32 $0xFFFFFFFF  }
0xa5: {  	s26 =	simm.s32 $execute0_lowered;
	[smem:$0x3FD2] =	sst s25  }
0xa6: {  	s4 =	sshll.u32 s26, $0x1;
	_ =	strace $0x80000046;
	[dreg:$0x1] =	wrdreg $0xFFFFFFFF  }
0xa7: {  	s28 =	simm.s32 $_size_execute0_lowered;
	s2 =	sadd.s32 s2, s4;
	[dreg:$0x0] =	wrdreg $0x0  }
0xa8: {  	s4 =	sshll.u32 s28, $0x1;
	[dreg:$0x2] =	wrdreg s2  }
0xa9: {  	[dreg:$0x3] =	wrdreg s4  }
0xaa: {  	[dreg:$0x4] =	wrdreg $0xC0  }
0xab: {  	_ =	task [dreg:s6], $0x5FFFF  }
0xac: {  	[dreg:$0x1] =	wrdreg $0xFFFFFFFF  }
0xad: {  	[dreg:$0x0] =	wrdreg $0x60  }
0xae: {  	[dreg:$0x2] =	wrdreg s24  }
0xaf: {  	[dreg:$0x3] =	wrdreg $0x9  }
0xb0: {  	_ =	task.clear_ibuf [dreg:s6], $0x4FFFF;
	_ =	strace $0x90000046  }
0xb1: {  	s29 =	simm.s32 $0x9;
	_ =	strace $0x80000048  }
0xb2: {  	_ =	swait.ge [sflag:s29], $0x1  }
0xb3: {  	[sflag:s29] =	ssyncadd.s32 $0xFFFFFFFF  }
0xb4: {  	_ =	strace $0x90000048  }
0xb5: {  	_ =	sfence  }
0xb6: {  	s30 =	sld [smem:$0x0];
	_ =	sdelay $0x2  }
0xb7: {  	s31 =	sshll.u32 s1, $0xD;
	s1 =	sshrl.u32 s1, $0x2  }
0xb8: {  	s3 =	sand.u32 $0x4000, s31;
	s1 =	sadd.s32 s1, s30  }
0xb9: {  	s0 =	sor.u32 s3, s0;
	s1 =	sshll.u32 s1, $0x11  }
0xba: {  	s0 =	sor.u32 s1, s0  }
0xbb: {  	s0 =	sadd.s32 $0x8F2B, s0  }
0xbc: {  	[sflag:s0] =	ssyncadd.remote.s32 $0x1  }
0xbd: {  	_ =	sfence.sel $0xFFFF  }
0xbe: {  	[dreg:$0x0] =	wrdreg $0xFFFFFFFF;
	(pc) =	sbr.abs _section_cstart, $3  }
0xbf: {  	[dreg:$0x1] =	wrdreg $0xFFFFFFFF  }
0xc0: {  	_ =	task.clear_ibuf [dreg:s6], $0x2FFFF;
	_ =	strace $0x9FFFFFFF  }
0xc1: {  	(tm) =	ssettm $0x7FFFFFFF  }
tec
execute0_lowered:
.L_overlay_start_1:
0x0: {  	(tag) =	ssettag $0x1  }
0x1: {  	s0 =	rddreg [dreg:$0x0];
	s1 =	srdreg.scid  }
0x2: {  	s3 =	stileid.u32;
	s2 =	simm.s32 $0x0;
	s7 =	simm.s32 $0x9  }
0x3: {  	s8 =	simm.s32 $0x68;
	s10 =	simm.s32 $0x60;
	s17 =	simm.s32 $0xB400  }
0x4: {  	s18 =	simm.s32 $0x268;
	s19 =	simm.s32 $0x11800;
	s20 =	simm.s32 $0x300  }
0x5: {  	s21 =	simm.s32 $0xCE00;
	s22 =	simm.s32 $0x368;
	s23 =	simm.s32 $0x13000  }
0x6: {  	s24 =	simm.s32 $0x1;
	s25 =	simm.s32 $0x5;
	s26 =	simm.s32 $0x2  }
0x7: {  	s28 =	simm.s32 $0x6;
	s29 =	simm.s32 $0x3;
	s30 =	simm.s32 $0x7  }
0x8: {  	s31 =	simm.s32 $0x4;
	s9 =	simm.s32 $0x0;
	s1 =	sand.u32 $0x1, s1  }
0x9: {  	s3 =	sshll.u32 s3, $0x8;
	[smem:$0x7FF] =	sst s2;
	s4 =	sshll.u32 s1, $0x7  }
0xa: {  	_ =	strace $0x80000047;
	s1 =	ssub.s32 $0x2, s1;
	s3 =	sor.u32 s4, s3  }
0xb: {  	s6 =	sshrl.u32 s1, $0x1;
	s4 =	sshll.u32 s3, $0x5;
	s5 =	sshll.u32 s3, $0x3  }
0xc: {  	s3 =	sadd.s32 $0xF43200, s0;
	s1 =	ssub.s32 s1, s6;
	s4 =	sadd.s32 s4, s0  }
0xd: {  	s0 =	sadd.s32 s5, s0;
	s6 =	smax.u32 s1, $0x1;
	s1 =	simm.s32 $0x14800  }
0xe: {  	s4 =	sadd.s32 $0xE00, s4;
	s5 =	sadd.s32 $0x20E00, s0;
	s0 =	simm.s32 $0x8  }
.LBB2_1:
0xf: {  	[tilespmem:s2], [sflag:$0x9] =	stream.linear.gather [hbm4b:s4+s2], $0x8000, $0x38;
	[tilespmem:$0x16800] =	vst v63  }
0x10: {  	_ =	swait.ge [sflag:s7], $0x8000  }
0x11: {  	[sflag:s7] =	ssyncset.done $0x0  }
0x12: {  	s11 =	simm.s32 $0x8000;
	[sflag:s7] =	ssyncadd.s32 $0xFFFF8000  }
0x13: {  	[tilespmem:s11], [sflag:$0x1] =	stream.indirect.gather [hbm4b:s3+s8], $0x40, s2, s8, $0xb8;
	[tilespmem:$0x16800] =	vst v63  }
0x14: {  	s12 =	simm.s32 $0xE800  }
0x15: {  	[tilespmem:s12], [sflag:$0x5] =	stream.indirect.gather [hbm4b:s3+s10], $0x40, s8, s10, $0xb8;
	[tilespmem:$0x16800] =	vst v63  }
0x16: {  	s13 =	simm.s32 $0x100;
	s12 =	simm.s32 $0x9A00  }
0x17: {  	[tilespmem:s12], [sflag:$0x2] =	stream.indirect.gather [hbm4b:s3+s8], $0x40, s13, s8, $0xb8;
	[tilespmem:$0x16800] =	vst v63  }
0x18: {  	s14 =	simm.s32 $0x168;
	s15 =	simm.s32 $0x10000  }
0x19: {  	[tilespmem:s15], [sflag:$0x6] =	stream.indirect.gather [hbm4b:s3+s10], $0x40, s14, s10, $0xb8;
	[tilespmem:$0x16800] =	vst v63  }
0x1a: {  	s16 =	simm.s32 $0x200  }
0x1b: {  	[tilespmem:s17], [sflag:$0x3] =	stream.indirect.gather [hbm4b:s3+s8], $0x40, s16, s8, $0xb8;
	[tilespmem:$0x16800] =	vst v63  }
0x1c: {  	_ = 	snop  }
0x1d: {  	[tilespmem:s19], [sflag:$0x7] =	stream.indirect.gather [hbm4b:s3+s10], $0x40, s18, s10, $0xb8;
	[tilespmem:$0x16800] =	vst v63  }
0x1e: {  	_ = 	snop  }
0x1f: {  	[tilespmem:s21], [sflag:$0x4] =	stream.indirect.gather [hbm4b:s3+s8], $0x40, s20, s8, $0xb8;
	[tilespmem:$0x16800] =	vst v63  }
0x20: {  	s11 =	simm.s32 $0x0  }
0x21: {  	[tilespmem:s23], [sflag:$0x8] =	stream.indirect.gather [hbm4b:s3+s10], $0x40, s22, s10, $0xb8;
	[tilespmem:$0x16800] =	vst v63  }
.LBB2_2:
0x22: {  	_ =	swait.ge [sflag:s24], $0x1A00  }
0x23: {  	[sflag:s24] =	ssyncset.done $0x0  }
0x24: {  	s12 =	simm.s32 $0x0;
	[sflag:s24] =	ssyncadd.s32 $0xFFFFE600  }
0x25: {  	v1 =	vld [tilespmem:s12+$0x8040]  }
0x26: {  	v0 =	vld [tilespmem:s12+$0x8050]  }
0x27: {  	v2 =	vld [tilespmem:s12+$0x8000]  }
0x28: {  	v5 =	vimm.f32 $0.0e+00;
	v3 =	vld [tilespmem:s12+$0x8010]  }
0x29: {  	s13 =	simm.s32 $0x200;
	v6 =	vimm.f32 $0.0e+00;
	v7 =	vimm.f32 $0.0e+00;
	v8 =	vimm.f32 $0.0e+00;
	v4 =	vld [tilespmem:s12+$0x8020]  }
.LBB2_3:
0x2a: {  	p0 =	sne.s32 s13, $0x6600;
	v9 =	vld [tilespmem:s12+$0x8030];
	v10 =	vmov v1  }
0x2b: {  	v11 =	vld [tilespmem:s12+$0x8060];
	v12 =	vmov v0  }
0x2c: {  	v13 =	vld [tilespmem:s12+$0x8070];
	s12 =	sshra.s32 s13, $0x2  }
.Ltmp0:
0x2d: {  	v1 =	vld [tilespmem:s12+$0x8040];
	(pc) =	sbr.rel @p0 .LBB2_3-.Ltmp0, $4  }
0x2e: {  	v5 =	vadd.f32 v2, v5;
	v6 =	vadd.f32 v3, v6;
	v0 =	vld [tilespmem:s12+$0x8050]  }
0x2f: {  	v7 =	vadd.f32 v4, v7;
	v2 =	vld [tilespmem:s12+$0x8000];
	v8 =	vadd.f32 v9, v8  }
0x30: {  	v5 =	vadd.f32 v10, v5;
	v6 =	vadd.f32 v12, v6;
	v3 =	vld [tilespmem:s12+$0x8010]  }
0x31: {  	s13 =	sadd.s32 $0x200, s13;
	v7 =	vadd.f32 v11, v7;
	v4 =	vld [tilespmem:s12+$0x8020];
	v8 =	vadd.f32 v13, v8  }
0x32: {  	s13 =	sshll.u32 s11, $0x2  }
0x33: {  	v10 =	vld [tilespmem:s12+$0x8030];
	p0 =	seq.s32 s11, $0x1F;
	s14 =	sadd.s32 $0x4, s13  }
0x34: {  	v11 =	vld [tilespmem:s12+$0x8060];
	s14 =	sshll.u32 @!p0 s14, $0x8  }
0x35: {  	v12 =	vld [tilespmem:s12+$0x8070];
	s15 =	simm.s32 @!p0 $0x8000;
	s12 =	sand.u32 @!p0 $0x3FFFFF00, s14;
	s14 =	simm.s32 @!p0 $0x68  }
0x36: {  	[tilespmem:s15], [sflag:$0x1] =	stream.indirect.gather @!p0 [hbm4b:s3+s14], $0x40, s12, s14, $0xb8;
	[tilespmem:$0x16800] =	vst v63  }
0x37: {  	_ =	swait.ge [sflag:s25], $0x1800  }
0x38: {  	[sflag:s25] =	ssyncset.done $0x0  }
0x39: {  	s14 =	simm.s32 $0x0;
	[sflag:s25] =	ssyncadd.s32 $0xFFFFE800  }
0x3a: {  	v9 =	vld [tilespmem:s14+$0xE840]  }
0x3b: {  	v5 =	vadd.f32 v2, v5;
	v6 =	vadd.f32 v3, v6;
	v2 =	vld [tilespmem:s14+$0xE850]  }
0x3c: {  	v7 =	vadd.f32 v4, v7;
	v8 =	vadd.f32 v10, v8;
	v3 =	vld [tilespmem:s14+$0xE800]  }
0x3d: {  	v4 =	vadd.f32 v1, v5;
	v5 =	vadd.f32 v0, v6;
	v1 =	vld [tilespmem:s14+$0xE810]  }
0x3e: {  	s15 =	simm.s32 $0x200;
	v6 =	vadd.f32 v11, v7;
	v0 =	vadd.f32 v12, v8;
	v7 =	vld [tilespmem:s14+$0xE820]  }
.LBB2_5:
0x3f: {  	p1 =	sne.s32 s15, $0x5E00;
	v8 =	vld [tilespmem:s14+$0xE830];
	v10 =	vmov v9  }
0x40: {  	v11 =	vld [tilespmem:s14+$0xE860];
	v12 =	vmov v2  }
0x41: {  	v13 =	vld [tilespmem:s14+$0xE870];
	s14 =	sshra.s32 s15, $0x2  }
.Ltmp1:
0x42: {  	v9 =	vld [tilespmem:s14+$0xE840];
	(pc) =	sbr.rel @p1 .LBB2_5-.Ltmp1, $4  }
0x43: {  	v4 =	vadd.f32 v3, v4;
	v5 =	vadd.f32 v1, v5;
	v2 =	vld [tilespmem:s14+$0xE850]  }
0x44: {  	v6 =	vadd.f32 v7, v6;
	v3 =	vld [tilespmem:s14+$0xE800];
	v0 =	vadd.f32 v8, v0  }
0x45: {  	v4 =	vadd.f32 v10, v4;
	v5 =	vadd.f32 v12, v5;
	v1 =	vld [tilespmem:s14+$0xE810]  }
0x46: {  	s15 =	sadd.s32 $0x200, s15;
	v6 =	vadd.f32 v11, v6;
	v7 =	vld [tilespmem:s14+$0xE820];
	v0 =	vadd.f32 v13, v0  }
0x47: {  	v8 =	vld [tilespmem:s14+$0xE830]  }
0x48: {  	v10 =	vld [tilespmem:s14+$0xE860]  }
0x49: {  	v11 =	vld [tilespmem:s14+$0xE870];
	v3 =	vadd.f32 v3, v4  }
0x4a: {  	v1 =	vadd.f32 v1, v5  }
0x4b: {  	s12 =	sor.u32 @!p0 $0x68, s12;
	v4 =	vadd.f32 v7, v6;
	v3 =	vadd.f32 v9, v3  }
0x4c: {  	s14 =	simm.s32 @!p0 $0x60;
	s15 =	simm.s32 @!p0 $0xE800;
	s16 =	sshll.u32 s11, $0x8;
	v0 =	vadd.f32 v8, v0;
	v1 =	vadd.f32 v2, v1  }
0x4d: {  	[tilespmem:s15], [sflag:$0x5] =	stream.indirect.gather @!p0 [hbm4b:s3+s14], $0x40, s12, s14, $0xb8;
	v2 =	vadd.f32 v10, v4;
	v3 =	vmul.f32 $4.999999890e-03, v3;
	[tilespmem:$0x16800] =	vst v63  }
0x4e: {  	s12 =	sand.u32 $0x3FFFFF00, s16;
	v0 =	vadd.f32 v11, v0;
	v1 =	vmul.f32 $4.999999890e-03, v1  }
0x4f: {  	[tilespmem:s12+$0x14800] =	vst v3;
	v2 =	vmul.f32 $4.999999890e-03, v2  }
0x50: {  	[tilespmem:s12+$0x14810] =	vst v1;
	v0 =	vmul.f32 $4.999999890e-03, v0  }
0x51: {  	[tilespmem:s12+$0x14820] =	vst v2  }
0x52: {  	[tilespmem:s12+$0x14830] =	vst v0  }
0x53: {  	_ =	swait.ge [sflag:s26], $0x1A00  }
0x54: {  	[sflag:s26] =	ssyncset.done $0x0  }
0x55: {  	s14 =	simm.s32 $0x0;
	[sflag:s26] =	ssyncadd.s32 $0xFFFFE600  }
0x56: {  	v1 =	vld [tilespmem:s14+$0x9A40]  }
0x57: {  	v0 =	vld [tilespmem:s14+$0x9A50]  }
0x58: {  	v2 =	vld [tilespmem:s14+$0x9A00]  }
0x59: {  	v5 =	vimm.f32 $0.0e+00;
	v3 =	vld [tilespmem:s14+$0x9A10]  }
0x5a: {  	s15 =	simm.s32 $0x200;
	v7 =	vimm.f32 $0.0e+00;
	v9 =	vimm.f32 $0.0e+00;
	v8 =	vimm.f32 $0.0e+00;
	v4 =	vld [tilespmem:s14+$0x9A20]  }
.LBB2_7:
0x5b: {  	p1 =	sne.s32 s15, $0x6600;
	v6 =	vld [tilespmem:s14+$0x9A30];
	v10 =	vmov v1  }
0x5c: {  	v11 =	vld [tilespmem:s14+$0x9A60];
	v12 =	vmov v0  }
0x5d: {  	v13 =	vld [tilespmem:s14+$0x9A70];
	s14 =	sshra.s32 s15, $0x2  }
.Ltmp2:
0x5e: {  	v1 =	vld [tilespmem:s14+$0x9A40];
	(pc) =	sbr.rel @p1 .LBB2_7-.Ltmp2, $4  }
0x5f: {  	v5 =	vadd.f32 v2, v5;
	v7 =	vadd.f32 v3, v7;
	v0 =	vld [tilespmem:s14+$0x9A50]  }
0x60: {  	v8 =	vadd.f32 v4, v8;
	v2 =	vld [tilespmem:s14+$0x9A00];
	v6 =	vadd.f32 v6, v9  }
0x61: {  	v5 =	vadd.f32 v10, v5;
	v7 =	vadd.f32 v12, v7;
	v3 =	vld [tilespmem:s14+$0x9A10]  }
0x62: {  	s15 =	sadd.s32 $0x200, s15;
	v8 =	vadd.f32 v11, v8;
	v4 =	vld [tilespmem:s14+$0x9A20];
	v9 =	vadd.f32 v13, v6  }
0x63: {  	v10 =	vld [tilespmem:s14+$0x9A30];
	s15 =	sadd.s32 $0x5, s13  }
0x64: {  	v11 =	vld [tilespmem:s14+$0x9A60];
	s15 =	sshll.u32 @!p0 s15, $0x8  }
0x65: {  	v12 =	vld [tilespmem:s14+$0x9A70];
	s16 =	simm.s32 @!p0 $0x9A00;
	s14 =	sand.u32 @!p0 $0x3FFFFF00, s15;
	s15 =	simm.s32 @!p0 $0x68  }
0x66: {  	[tilespmem:s16], [sflag:$0x2] =	stream.indirect.gather @!p0 [hbm4b:s3+s15], $0x40, s14, s15, $0xb8;
	[tilespmem:$0x16800] =	vst v63  }
0x67: {  	_ =	swait.ge [sflag:s28], $0x1800  }
0x68: {  	[sflag:s28] =	ssyncset.done $0x0  }
0x69: {  	s15 =	simm.s32 $0x0;
	[sflag:s28] =	ssyncadd.s32 $0xFFFFE800  }
0x6a: {  	v6 =	vld [tilespmem:s15+$0x10040]  }
0x6b: {  	v5 =	vadd.f32 v2, v5;
	v7 =	vadd.f32 v3, v7;
	v2 =	vld [tilespmem:s15+$0x10050]  }
0x6c: {  	v8 =	vadd.f32 v4, v8;
	v9 =	vadd.f32 v10, v9;
	v3 =	vld [tilespmem:s15+$0x10000]  }
0x6d: {  	v1 =	vadd.f32 v1, v5;
	v4 =	vadd.f32 v0, v7;
	v0 =	vld [tilespmem:s15+$0x10010]  }
0x6e: {  	s16 =	simm.s32 $0x200;
	v7 =	vadd.f32 v11, v8;
	v5 =	vadd.f32 v12, v9;
	v8 =	vld [tilespmem:s15+$0x10020]  }
.LBB2_9:
0x6f: {  	p1 =	sne.s32 s16, $0x5E00;
	v9 =	vld [tilespmem:s15+$0x10030];
	v10 =	vmov v6  }
0x70: {  	v11 =	vld [tilespmem:s15+$0x10060];
	v12 =	vmov v2  }
0x71: {  	v13 =	vld [tilespmem:s15+$0x10070];
	s15 =	sshra.s32 s16, $0x2  }
.Ltmp3:
0x72: {  	v6 =	vld [tilespmem:s15+$0x10040];
	(pc) =	sbr.rel @p1 .LBB2_9-.Ltmp3, $4  }
0x73: {  	v1 =	vadd.f32 v3, v1;
	v4 =	vadd.f32 v0, v4;
	v2 =	vld [tilespmem:s15+$0x10050]  }
0x74: {  	v7 =	vadd.f32 v8, v7;
	v3 =	vld [tilespmem:s15+$0x10000];
	v5 =	vadd.f32 v9, v5  }
0x75: {  	v1 =	vadd.f32 v10, v1;
	v4 =	vadd.f32 v12, v4;
	v0 =	vld [tilespmem:s15+$0x10010]  }
0x76: {  	s16 =	sadd.s32 $0x200, s16;
	v7 =	vadd.f32 v11, v7;
	v8 =	vld [tilespmem:s15+$0x10020];
	v5 =	vadd.f32 v13, v5  }
0x77: {  	v9 =	vld [tilespmem:s15+$0x10030]  }
0x78: {  	v10 =	vld [tilespmem:s15+$0x10060]  }
0x79: {  	v11 =	vld [tilespmem:s15+$0x10070];
	v1 =	vadd.f32 v3, v1  }
0x7a: {  	v0 =	vadd.f32 v0, v4  }
0x7b: {  	v3 =	vadd.f32 v8, v7;
	v1 =	vadd.f32 v6, v1  }
0x7c: {  	v4 =	vadd.f32 v9, v5;
	v0 =	vadd.f32 v2, v0  }
0x7d: {  	s14 =	sor.u32 @!p0 $0x68, s14;
	s15 =	simm.s32 @!p0 $0x60;
	s16 =	simm.s32 @!p0 $0x10000;
	v2 =	vadd.f32 v10, v3;
	v1 =	vmul.f32 $4.999999890e-03, v1  }
0x7e: {  	[tilespmem:s16], [sflag:$0x6] =	stream.indirect.gather @!p0 [hbm4b:s3+s15], $0x40, s14, s15, $0xb8;
	v3 =	vadd.f32 v11, v4;
	v0 =	vmul.f32 $4.999999890e-03, v0;
	[tilespmem:$0x16800] =	vst v63  }
0x7f: {  	[tilespmem:s12+$0x14840] =	vst v1;
	v1 =	vmul.f32 $4.999999890e-03, v2  }
0x80: {  	[tilespmem:s12+$0x14850] =	vst v0;
	v0 =	vmul.f32 $4.999999890e-03, v3  }
0x81: {  	[tilespmem:s12+$0x14860] =	vst v1  }
0x82: {  	[tilespmem:s12+$0x14870] =	vst v0  }
0x83: {  	_ =	swait.ge [sflag:s29], $0x1A00  }
0x84: {  	[sflag:s29] =	ssyncset.done $0x0  }
0x85: {  	s14 =	simm.s32 $0x0;
	[sflag:s29] =	ssyncadd.s32 $0xFFFFE600  }
0x86: {  	v1 =	vld [tilespmem:s14+$0xB440]  }
0x87: {  	v0 =	vld [tilespmem:s14+$0xB450]  }
0x88: {  	v2 =	vld [tilespmem:s14+$0xB400]  }
0x89: {  	v7 =	vimm.f32 $0.0e+00;
	v3 =	vld [tilespmem:s14+$0xB410]  }
0x8a: {  	s15 =	simm.s32 $0x200;
	v8 =	vimm.f32 $0.0e+00;
	v5 =	vimm.f32 $0.0e+00;
	v9 =	vimm.f32 $0.0e+00;
	v4 =	vld [tilespmem:s14+$0xB420]  }
.LBB2_11:
0x8b: {  	p1 =	sne.s32 s15, $0x6600;
	v6 =	vld [tilespmem:s14+$0xB430];
	v10 =	vmov v1  }
0x8c: {  	v11 =	vld [tilespmem:s14+$0xB460];
	v12 =	vmov v0  }
0x8d: {  	v13 =	vld [tilespmem:s14+$0xB470];
	s14 =	sshra.s32 s15, $0x2  }
.Ltmp4:
0x8e: {  	v1 =	vld [tilespmem:s14+$0xB440];
	(pc) =	sbr.rel @p1 .LBB2_11-.Ltmp4, $4  }
0x8f: {  	v5 =	vadd.f32 v2, v5;
	v7 =	vadd.f32 v3, v7;
	v0 =	vld [tilespmem:s14+$0xB450]  }
0x90: {  	v8 =	vadd.f32 v4, v8;
	v2 =	vld [tilespmem:s14+$0xB400];
	v6 =	vadd.f32 v6, v9  }
0x91: {  	v5 =	vadd.f32 v10, v5;
	v7 =	vadd.f32 v12, v7;
	v3 =	vld [tilespmem:s14+$0xB410]  }
0x92: {  	s15 =	sadd.s32 $0x200, s15;
	v8 =	vadd.f32 v11, v8;
	v4 =	vld [tilespmem:s14+$0xB420];
	v9 =	vadd.f32 v13, v6  }
0x93: {  	v10 =	vld [tilespmem:s14+$0xB430];
	s15 =	sadd.s32 $0x6, s13  }
0x94: {  	v11 =	vld [tilespmem:s14+$0xB460];
	s15 =	sshll.u32 @!p0 s15, $0x8  }
0x95: {  	v12 =	vld [tilespmem:s14+$0xB470];
	s16 =	simm.s32 @!p0 $0xB400;
	s14 =	sand.u32 @!p0 $0x3FFFFF00, s15;
	s15 =	simm.s32 @!p0 $0x68  }
0x96: {  	[tilespmem:s16], [sflag:$0x3] =	stream.indirect.gather @!p0 [hbm4b:s3+s15], $0x40, s14, s15, $0xb8;
	[tilespmem:$0x16800] =	vst v63  }
0x97: {  	_ =	swait.ge [sflag:s30], $0x1800  }
0x98: {  	[sflag:s30] =	ssyncset.done $0x0  }
0x99: {  	s15 =	simm.s32 $0x0;
	[sflag:s30] =	ssyncadd.s32 $0xFFFFE800  }
0x9a: {  	v6 =	vld [tilespmem:s15+$0x11840]  }
0x9b: {  	v5 =	vadd.f32 v2, v5;
	v7 =	vadd.f32 v3, v7;
	v2 =	vld [tilespmem:s15+$0x11850]  }
0x9c: {  	v8 =	vadd.f32 v4, v8;
	v9 =	vadd.f32 v10, v9;
	v3 =	vld [tilespmem:s15+$0x11800]  }
0x9d: {  	v1 =	vadd.f32 v1, v5;
	v4 =	vadd.f32 v0, v7;
	v0 =	vld [tilespmem:s15+$0x11810]  }
0x9e: {  	s16 =	simm.s32 $0x200;
	v7 =	vadd.f32 v11, v8;
	v5 =	vadd.f32 v12, v9;
	v8 =	vld [tilespmem:s15+$0x11820]  }
.LBB2_13:
0x9f: {  	p1 =	sne.s32 s16, $0x5E00;
	v9 =	vld [tilespmem:s15+$0x11830];
	v10 =	vmov v6  }
0xa0: {  	v11 =	vld [tilespmem:s15+$0x11860];
	v12 =	vmov v2  }
0xa1: {  	v13 =	vld [tilespmem:s15+$0x11870];
	s15 =	sshra.s32 s16, $0x2  }
.Ltmp5:
0xa2: {  	v6 =	vld [tilespmem:s15+$0x11840];
	(pc) =	sbr.rel @p1 .LBB2_13-.Ltmp5, $4  }
0xa3: {  	v1 =	vadd.f32 v3, v1;
	v4 =	vadd.f32 v0, v4;
	v2 =	vld [tilespmem:s15+$0x11850]  }
0xa4: {  	v7 =	vadd.f32 v8, v7;
	v3 =	vld [tilespmem:s15+$0x11800];
	v5 =	vadd.f32 v9, v5  }
0xa5: {  	v1 =	vadd.f32 v10, v1;
	v4 =	vadd.f32 v12, v4;
	v0 =	vld [tilespmem:s15+$0x11810]  }
0xa6: {  	s16 =	sadd.s32 $0x200, s16;
	v7 =	vadd.f32 v11, v7;
	v8 =	vld [tilespmem:s15+$0x11820];
	v5 =	vadd.f32 v13, v5  }
0xa7: {  	v9 =	vld [tilespmem:s15+$0x11830]  }
0xa8: {  	v10 =	vld [tilespmem:s15+$0x11860]  }
0xa9: {  	v11 =	vld [tilespmem:s15+$0x11870];
	v1 =	vadd.f32 v3, v1  }
0xaa: {  	v0 =	vadd.f32 v0, v4  }
0xab: {  	v3 =	vadd.f32 v8, v7;
	v1 =	vadd.f32 v6, v1  }
0xac: {  	v4 =	vadd.f32 v9, v5;
	v0 =	vadd.f32 v2, v0  }
0xad: {  	s14 =	sor.u32 @!p0 $0x68, s14;
	s15 =	simm.s32 @!p0 $0x60;
	s16 =	simm.s32 @!p0 $0x11800;
	v2 =	vadd.f32 v10, v3;
	v1 =	vmul.f32 $4.999999890e-03, v1  }
0xae: {  	[tilespmem:s16], [sflag:$0x7] =	stream.indirect.gather @!p0 [hbm4b:s3+s15], $0x40, s14, s15, $0xb8;
	v3 =	vadd.f32 v11, v4;
	v0 =	vmul.f32 $4.999999890e-03, v0;
	[tilespmem:$0x16800] =	vst v63  }
0xaf: {  	[tilespmem:s12+$0x14880] =	vst v1;
	v1 =	vmul.f32 $4.999999890e-03, v2  }
0xb0: {  	[tilespmem:s12+$0x14890] =	vst v0;
	v0 =	vmul.f32 $4.999999890e-03, v3  }
0xb1: {  	[tilespmem:s12+$0x148A0] =	vst v1  }
0xb2: {  	[tilespmem:s12+$0x148B0] =	vst v0  }
0xb3: {  	_ =	swait.ge [sflag:s31], $0x1A00  }
0xb4: {  	[sflag:s31] =	ssyncset.done $0x0  }
0xb5: {  	s14 =	simm.s32 $0x0;
	[sflag:s31] =	ssyncadd.s32 $0xFFFFE600  }
0xb6: {  	v1 =	vld [tilespmem:s14+$0xCE40]  }
0xb7: {  	v0 =	vld [tilespmem:s14+$0xCE50]  }
0xb8: {  	v2 =	vld [tilespmem:s14+$0xCE00]  }
0xb9: {  	v7 =	vimm.f32 $0.0e+00;
	v3 =	vld [tilespmem:s14+$0xCE10]  }
0xba: {  	s15 =	simm.s32 $0x200;
	v8 =	vimm.f32 $0.0e+00;
	v5 =	vimm.f32 $0.0e+00;
	v9 =	vimm.f32 $0.0e+00;
	v4 =	vld [tilespmem:s14+$0xCE20]  }
.LBB2_15:
0xbb: {  	p1 =	sne.s32 s15, $0x6600;
	v6 =	vld [tilespmem:s14+$0xCE30];
	v10 =	vmov v1  }
0xbc: {  	v11 =	vld [tilespmem:s14+$0xCE60];
	v12 =	vmov v0  }
0xbd: {  	v13 =	vld [tilespmem:s14+$0xCE70];
	s14 =	sshra.s32 s15, $0x2  }
.Ltmp6:
0xbe: {  	v1 =	vld [tilespmem:s14+$0xCE40];
	(pc) =	sbr.rel @p1 .LBB2_15-.Ltmp6, $4  }
0xbf: {  	v5 =	vadd.f32 v2, v5;
	v7 =	vadd.f32 v3, v7;
	v0 =	vld [tilespmem:s14+$0xCE50]  }
0xc0: {  	v8 =	vadd.f32 v4, v8;
	v2 =	vld [tilespmem:s14+$0xCE00];
	v6 =	vadd.f32 v6, v9  }
0xc1: {  	v5 =	vadd.f32 v10, v5;
	v7 =	vadd.f32 v12, v7;
	v3 =	vld [tilespmem:s14+$0xCE10]  }
0xc2: {  	s15 =	sadd.s32 $0x200, s15;
	v8 =	vadd.f32 v11, v8;
	v4 =	vld [tilespmem:s14+$0xCE20];
	v9 =	vadd.f32 v13, v6  }
0xc3: {  	v10 =	vld [tilespmem:s14+$0xCE30];
	s13 =	sadd.s32 $0x7, s13  }
0xc4: {  	v11 =	vld [tilespmem:s14+$0xCE60];
	s13 =	sshll.u32 @!p0 s13, $0x8  }
0xc5: {  	v12 =	vld [tilespmem:s14+$0xCE70];
	s14 =	simm.s32 @!p0 $0x68;
	s15 =	simm.s32 @!p0 $0xCE00;
	s13 =	sand.u32 @!p0 $0x3FFFFF00, s13  }
0xc6: {  	[tilespmem:s15], [sflag:$0x4] =	stream.indirect.gather @!p0 [hbm4b:s3+s14], $0x40, s13, s14, $0xb8;
	[tilespmem:$0x16800] =	vst v63  }
0xc7: {  	_ =	swait.ge [sflag:s0], $0x1800  }
0xc8: {  	[sflag:s0] =	ssyncset.done $0x0  }
0xc9: {  	s14 =	simm.s32 $0x0;
	[sflag:s0] =	ssyncadd.s32 $0xFFFFE800  }
0xca: {  	v6 =	vld [tilespmem:s14+$0x13040]  }
0xcb: {  	v5 =	vadd.f32 v2, v5;
	v7 =	vadd.f32 v3, v7;
	v2 =	vld [tilespmem:s14+$0x13050]  }
0xcc: {  	v8 =	vadd.f32 v4, v8;
	v9 =	vadd.f32 v10, v9;
	v3 =	vld [tilespmem:s14+$0x13000]  }
0xcd: {  	v1 =	vadd.f32 v1, v5;
	v4 =	vadd.f32 v0, v7;
	v0 =	vld [tilespmem:s14+$0x13010]  }
0xce: {  	s15 =	simm.s32 $0x200;
	v7 =	vadd.f32 v11, v8;
	v5 =	vadd.f32 v12, v9;
	v8 =	vld [tilespmem:s14+$0x13020]  }
.LBB2_17:
0xcf: {  	p1 =	sne.s32 s15, $0x5E00;
	v9 =	vld [tilespmem:s14+$0x13030];
	v10 =	vmov v6  }
0xd0: {  	v11 =	vld [tilespmem:s14+$0x13060];
	v12 =	vmov v2  }
0xd1: {  	v13 =	vld [tilespmem:s14+$0x13070];
	s14 =	sshra.s32 s15, $0x2  }
.Ltmp7:
0xd2: {  	v6 =	vld [tilespmem:s14+$0x13040];
	(pc) =	sbr.rel @p1 .LBB2_17-.Ltmp7, $4  }
0xd3: {  	v1 =	vadd.f32 v3, v1;
	v4 =	vadd.f32 v0, v4;
	v2 =	vld [tilespmem:s14+$0x13050]  }
0xd4: {  	v7 =	vadd.f32 v8, v7;
	v3 =	vld [tilespmem:s14+$0x13000];
	v5 =	vadd.f32 v9, v5  }
0xd5: {  	v1 =	vadd.f32 v10, v1;
	v4 =	vadd.f32 v12, v4;
	v0 =	vld [tilespmem:s14+$0x13010]  }
0xd6: {  	s15 =	sadd.s32 $0x200, s15;
	v7 =	vadd.f32 v11, v7;
	v8 =	vld [tilespmem:s14+$0x13020];
	v5 =	vadd.f32 v13, v5  }
0xd7: {  	v9 =	vld [tilespmem:s14+$0x13030]  }
0xd8: {  	v10 =	vld [tilespmem:s14+$0x13060]  }
0xd9: {  	v11 =	vld [tilespmem:s14+$0x13070];
	v1 =	vadd.f32 v3, v1  }
0xda: {  	s13 =	sor.u32 @!p0 $0x68, s13;
	v0 =	vadd.f32 v0, v4  }
0xdb: {  	s14 =	simm.s32 @!p0 $0x60;
	s15 =	simm.s32 @!p0 $0x13000;
	s11 =	sadd.s32 $0x1, s11;
	v58 =	vadd.f32 v8, v7;
	v1 =	vadd.f32 v6, v1  }
0xdc: {  	[tilespmem:s15], [sflag:$0x8] =	stream.indirect.gather @!p0 [hbm4b:s3+s14], $0x40, s13, s14, $0xb8;
	v59 =	vadd.f32 v9, v5;
	v0 =	vadd.f32 v2, v0;
	[tilespmem:$0x16800] =	vst v63  }
0xdd: {  	p0 =	sne.s32 s11, $0x20;
	v60 =	vadd.f32 v10, v58;
	v1 =	vmul.f32 $4.999999890e-03, v1  }
.Ltmp8:
0xde: {  	v61 =	vadd.f32 v11, v59;
	v0 =	vmul.f32 $4.999999890e-03, v0;
	(pc) =	sbr.rel @p0 .LBB2_2-.Ltmp8, $4  }
0xdf: {  	[tilespmem:s12+$0x148C0] =	vst v1;
	v62 =	vmul.f32 $4.999999890e-03, v60  }
0xe0: {  	[tilespmem:s12+$0x148D0] =	vst v0;
	v63 =	vmul.f32 $4.999999890e-03, v61  }
0xe1: {  	[tilespmem:s12+$0x148E0] =	vst v62  }
0xe2: {  	[tilespmem:s12+$0x148F0] =	vst v63  }
0xe3: {  	s9 =	sadd.s32 $0x1, s9  }
0xe4: {  	p0 =	sne.s32 s9, s6  }
.Ltmp9:
0xe5: {  	_ = 	snop;
	(pc) =	sbr.rel @p0 .LBB2_1-.Ltmp9, $4  }
0xe6: {  	[hbm4b:s5+s2] =	stream.linear.scatter [tilespmem:s1], [sflag:$0x9], $0x2000, $0x38;
	[tilespmem:$0x16800] =	vst v63  }
0xe7: {  	_ =	swait.ge [sflag:s7], $0x2000  }
0xe8: {  	[sflag:s7] =	ssyncset.done $0x0  }
0xe9: {  	[sflag:s7] =	ssyncadd.s32 $0xFFFFE000  }
0xea: {  	_ =	sfence.sel $0x180000  }
0xeb: {  	[bflag:$0x0] =	sbarrier.arrive $0xFFFF  }
0xec: {  	_ =	strace $0x90000047  }
0xed: {  	s0 =	stileid.u32;
	[bflag:$0x2] =	sbarrier.arrive $0xFFFF  }
0xee: {  	p0 =	sne.s32 s0, $0x0;
	s0 =	rddreg [dreg:$0x1]  }
0xef: {  	s0 =	sadd.s32 @!p0 $0x100000, s0  }
0xf0: {  	[sflag:s0] =	ssyncadd.tile.s32 @!p0 $0x1;
	_ =	shalt  }
.Lfunc_end2:
_tile_overlayer_lowered:
.L_overlay_start_2:
0xf1: {  	(tag) =	ssettag $0x2  }
0xf2: {  	s0 =	rddreg [dreg:$0x0];
	s2 =	stileid.u32  }
0xf3: {  	s1 =	rddreg [dreg:$0x1];
	p0 =	sne.s32 s2, $0x0  }
0xf4: {  	s3 =	rddreg [dreg:$0x2];
	[bflag:$0x3] =	sbarrier.arrive $0xFFFF;
	s2 =	simm.s32 @!p0 $0x1C09  }
0xf5: {  	[timem:s3], [sflag:s2] =	dma.local @!p0 [hbm:s0], s1  }
0xf6: {  	s0 =	simm.s32 @!p0 $0x9  }
0xf7: {  	_ =	swait.ge @!p0 [sflag:s0], s1  }
0xf8: {  	s1 =	ssub.s32 @!p0 $0x0, s1;
	[sflag:s0] =	ssyncset.done @!p0 $0x0  }
0xf9: {  	[sflag:s0] =	ssyncadd.s32 @!p0 s1  }
0xfa: {  	[bflag:$0x3] =	sbarrier.arrive $0xFFFF  }
0xfb: {  	_ =	shalt  }

</sc_bundles>
